<compile_context>
chip_gen: v7x
topology: tpu7x:2x2x1
jax: 0.10.2.dev20260603
libtpu: 0.0.44.dev20260713+nightly
codegen_flags: <defaults>
</compile_context>

<pallas_src>
import functools

import jax
import jax.numpy as jnp
from jax import lax
from jax.experimental import pallas as pl
from jax.experimental.pallas import tpu as pltpu
from jax.experimental.pallas import tpu_sc as plsc

B = 4
N = 8192
C_IN = 64
NPOINT = 1024
NSAMPLE = 32
RADIUS = 0.12
EPS = 1e-5
M_ROWS = B * NPOINT * NSAMPLE
D_PAD = 128
ROW_TILE = 2048
N_TILES = M_ROWS // ROW_TILE
CT_TILE = 256



def _fps_body(xyz_ref, newxyz_ref, dists_ref):
    X = xyz_ref[:, 0, :]
    Y = xyz_ref[:, 1, :]
    Z = xyz_ref[:, 2, :]
    XYZ = jnp.concatenate([X, Y, Z], axis=0)
    iota = lax.broadcasted_iota(jnp.int32, (B, N), 1)
    iota3 = lax.broadcasted_iota(jnp.int32, (3 * B, N), 1)
    dists_ref[...] = jnp.full((B, N), 1e10, jnp.float32)

    def coords_of(last):
        m3 = iota3 == jnp.concatenate([last, last, last], axis=0)
        r = jnp.sum(jnp.where(m3, XYZ, 0.0), axis=1, keepdims=True)
        return r[0:B], r[B:2 * B], r[2 * B:3 * B]

    def body(i, last):
        lx, ly, lz = coords_of(last)
        newxyz_ref[:, pl.ds(i - 1, 1), :] = jnp.concatenate(
            [lx[:, :, None], ly[:, :, None], lz[:, :, None]], axis=2)
        d = (X - lx) ** 2 + (Y - ly) ** 2 + (Z - lz) ** 2
        nd = jnp.minimum(dists_ref[...], d)
        dists_ref[...] = nd
        m = jnp.max(nd, axis=1, keepdims=True)
        nxt = jnp.min(jnp.where(nd == m, iota, N), axis=1, keepdims=True)
        return nxt.astype(jnp.int32)

    last = lax.fori_loop(1, NPOINT, body, jnp.zeros((B, 1), jnp.int32))
    lx, ly, lz = coords_of(last)
    newxyz_ref[:, NPOINT - 1:NPOINT, :] = jnp.concatenate(
        [lx[:, :, None], ly[:, :, None], lz[:, :, None]], axis=2)


def _fps(xyz_t):
    return pl.pallas_call(
        _fps_body,
        out_shape=jax.ShapeDtypeStruct((B, NPOINT, 3), jnp.float32),
        scratch_shapes=[pltpu.VMEM((B, N), jnp.float32)],
    )(xyz_t)



def _ballq_body(xyz_ref, c_ref, idx_ref, key_ref):
    t = pl.program_id(0)
    b = t // (NPOINT // CT_TILE)
    P = xyz_ref[0]
    px = xyz_ref[0, 0:1, :]
    py = xyz_ref[0, 1:2, :]
    pz = xyz_ref[0, 2:3, :]
    pn = px * px + py * py + pz * pz
    Ct = c_ref[0]
    cn = jnp.sum(Ct * Ct, axis=1, keepdims=True)
    dot = lax.dot_general(Ct, P, (((1,), (0,)), ((), ())),
                          preferred_element_type=jnp.float32)
    d2 = (cn + pn) - 2.0 * dot
    r2 = jnp.float32(RADIUS * RADIUS)
    mask = jnp.where(d2 < r2, 1, 0)

    nw = N // 16
    w = mask[:, 0:nw]
    for k in range(1, 16):
        w = w + (mask[:, k * nw:(k + 1) * nw] << k)
    key_ref[...] = w
    wiota = lax.broadcasted_iota(jnp.int32, (CT_TILE, nw), 1)
    liota = lax.broadcasted_iota(jnp.int32, (CT_TILE, NSAMPLE), 1)

    def body(j, acc):
        w = key_ref[...]
        lb = jnp.bitwise_and(w, -w)
        e = (lax.bitcast_convert_type(lb.astype(jnp.float32), jnp.int32)
             >> 23) - 127
        cand = jnp.where(w != 0, (e << 9) + wiota, N)
        m = jnp.min(cand, axis=1, keepdims=True)
        q = jnp.where(m < N, jnp.bitwise_and(m, nw - 1), -1)
        key_ref[...] = jnp.where(wiota == q, jnp.bitwise_and(w, w - 1), w)
        return jnp.where(liota == j, m, acc)

    acc = lax.fori_loop(0, NSAMPLE, body,
                        jnp.full((CT_TILE, NSAMPLE), N, jnp.int32))
    acc = jnp.where(acc == N, acc[:, 0:1], acc)
    idx_ref[...] = jnp.minimum(acc, N - 1) + b * N


def _ballq(xyz_t, new_xyz):
    n_ct = NPOINT // CT_TILE
    return pl.pallas_call(
        _ballq_body,
        grid=(B * n_ct,),
        in_specs=[
            pl.BlockSpec((1, 3, N), lambda t: (t // n_ct, 0, 0)),
            pl.BlockSpec((1, CT_TILE, 3), lambda t: (t // n_ct, t % n_ct, 0)),
        ],
        out_specs=pl.BlockSpec((CT_TILE, NSAMPLE), lambda t: (t, 0)),
        out_shape=jax.ShapeDtypeStruct((B * NPOINT, NSAMPLE), jnp.int32),
        scratch_shapes=[pltpu.VMEM((CT_TILE, N // 16), jnp.int32)],
    )(xyz_t, new_xyz)



def _gather_rows(table, idx_flat):
    info = plsc.get_sparse_core_info()
    nw = info.num_cores * info.num_subcores
    rows_per_w = M_ROWS // nw
    chunk = 512
    n_ch = rows_per_w // chunk
    mesh = plsc.VectorSubcoreMesh(core_axis_name="c", subcore_axis_name="s")

    @functools.partial(
        pl.kernel, mesh=mesh,
        out_type=jax.ShapeDtypeStruct((M_ROWS, D_PAD), jnp.float32),
        scratch_types=[
            pltpu.VMEM((chunk,), jnp.int32),
            pltpu.VMEM((chunk, D_PAD), jnp.float32),
            pltpu.SemaphoreType.DMA,
        ],
    )
    def k(table_hbm, idx_hbm, out_hbm, idx_v, rows_v, sem):
        wid = lax.axis_index("s") * info.num_cores + lax.axis_index("c")
        base = wid * rows_per_w

        def body(j, carry):
            off = base + j * chunk
            pltpu.sync_copy(idx_hbm.at[pl.ds(off, chunk)], idx_v)
            pltpu.async_copy(table_hbm.at[idx_v], rows_v, sem).wait()
            pltpu.sync_copy(rows_v, out_hbm.at[pl.ds(off, chunk)])
            return carry

        lax.fori_loop(0, n_ch, body, 0)

    return k(table, idx_flat)



def _stats_update(st_ref, y):
    t = pl.program_id(0)

    @pl.when(t == 0)
    def _():
        st_ref[...] = jnp.zeros_like(st_ref)

    s = jnp.sum(y, axis=0, keepdims=True)
    ss = jnp.sum(y * y, axis=0, keepdims=True)
    st_ref[...] += jnp.concatenate([s, ss], axis=0)


def _p1(X, C8, W1p, Wx8, c_out):
    def body(x_ref, c_ref, w_ref, wx_ref, y_ref, st_ref):
        y = jnp.dot(x_ref[...], w_ref[...], preferred_element_type=jnp.float32)
        y = y - jnp.dot(c_ref[...], wx_ref[...],
                        preferred_element_type=jnp.float32)
        y_ref[...] = y
        _stats_update(st_ref, y)

    return pl.pallas_call(
        body,
        grid=(N_TILES,),
        in_specs=[
            pl.BlockSpec((ROW_TILE, D_PAD), lambda t: (t, 0)),
            pl.BlockSpec((ROW_TILE, 8), lambda t: (t, 0)),
            pl.BlockSpec((D_PAD, c_out), lambda t: (0, 0)),
            pl.BlockSpec((8, c_out), lambda t: (0, 0)),
        ],
        out_specs=[
            pl.BlockSpec((ROW_TILE, c_out), lambda t: (t, 0)),
            pl.BlockSpec((2, c_out), lambda t: (0, 0)),
        ],
        out_shape=[
            jax.ShapeDtypeStruct((M_ROWS, c_out), jnp.float32),
            jax.ShapeDtypeStruct((2, c_out), jnp.float32),
        ],
    )(X, C8, W1p, Wx8)


def _p2(Y, a, c, Wt, c_in, c_out):
    def body(y_ref, a_ref, c_ref, w_ref, o_ref, st_ref):
        z = jnp.maximum(y_ref[...] * a_ref[...] + c_ref[...], 0.0)
        y = jnp.dot(z, w_ref[...], preferred_element_type=jnp.float32)
        o_ref[...] = y
        _stats_update(st_ref, y)

    return pl.pallas_call(
        body,
        grid=(N_TILES,),
        in_specs=[
            pl.BlockSpec((ROW_TILE, c_in), lambda t: (t, 0)),
            pl.BlockSpec((1, c_in), lambda t: (0, 0)),
            pl.BlockSpec((1, c_in), lambda t: (0, 0)),
            pl.BlockSpec((c_in, c_out), lambda t: (0, 0)),
        ],
        out_specs=[
            pl.BlockSpec((ROW_TILE, c_out), lambda t: (t, 0)),
            pl.BlockSpec((2, c_out), lambda t: (0, 0)),
        ],
        out_shape=[
            jax.ShapeDtypeStruct((M_ROWS, c_out), jnp.float32),
            jax.ShapeDtypeStruct((2, c_out), jnp.float32),
        ],
    )(Y, a, c, Wt)


def _p3(Y, a, c, Wt, c_in, c_out):
    groups = ROW_TILE // NSAMPLE

    def body(y_ref, a_ref, c_ref, w_ref, mx_ref, mn_ref, st_ref):
        z = jnp.maximum(y_ref[...] * a_ref[...] + c_ref[...], 0.0)
        y = jnp.dot(z, w_ref[...], preferred_element_type=jnp.float32)
        _stats_update(st_ref, y)
        mxs, mns = [], []
        for g in range(groups):
            blk = y[g * NSAMPLE:(g + 1) * NSAMPLE]
            mxs.append(jnp.max(blk, axis=0, keepdims=True))
            mns.append(jnp.min(blk, axis=0, keepdims=True))
        mx_ref[...] = jnp.concatenate(mxs, axis=0)
        mn_ref[...] = jnp.concatenate(mns, axis=0)

    n_grp = B * NPOINT
    return pl.pallas_call(
        body,
        grid=(N_TILES,),
        in_specs=[
            pl.BlockSpec((ROW_TILE, c_in), lambda t: (t, 0)),
            pl.BlockSpec((1, c_in), lambda t: (0, 0)),
            pl.BlockSpec((1, c_in), lambda t: (0, 0)),
            pl.BlockSpec((c_in, c_out), lambda t: (0, 0)),
        ],
        out_specs=[
            pl.BlockSpec((groups, c_out), lambda t: (t, 0)),
            pl.BlockSpec((groups, c_out), lambda t: (t, 0)),
            pl.BlockSpec((2, c_out), lambda t: (0, 0)),
        ],
        out_shape=[
            jax.ShapeDtypeStruct((n_grp, c_out), jnp.float32),
            jax.ShapeDtypeStruct((n_grp, c_out), jnp.float32),
            jax.ShapeDtypeStruct((2, c_out), jnp.float32),
        ],
    )(Y, a, c, Wt)


def _p4(mx, mn, a, c, c_out):
    tile = 512
    n_t = (B * NPOINT) // tile
    per_b = NPOINT // tile

    def body(mx_ref, mn_ref, a_ref, c_ref, o_ref):
        av = a_ref[...]
        pick = jnp.where(av >= 0.0, mx_ref[...], mn_ref[...])
        o = jnp.maximum(pick * av + c_ref[...], 0.0)
        o_ref[...] = jnp.transpose(o, (1, 0))[None]

    return pl.pallas_call(
        body,
        grid=(n_t,),
        in_specs=[
            pl.BlockSpec((tile, c_out), lambda t: (t, 0)),
            pl.BlockSpec((tile, c_out), lambda t: (t, 0)),
            pl.BlockSpec((1, c_out), lambda t: (0, 0)),
            pl.BlockSpec((1, c_out), lambda t: (0, 0)),
        ],
        out_specs=pl.BlockSpec((1, c_out, tile),
                               lambda t: (t // per_b, 0, t % per_b)),
        out_shape=jax.ShapeDtypeStruct((B, c_out, NPOINT), jnp.float32),
    )(mx, mn, a, c)


def _bn_affine(st, g, b):
    mu = st[0] / M_ROWS
    var = jnp.maximum(st[1] / M_ROWS - mu * mu, 0.0)
    a = g / jnp.sqrt(var + EPS)
    c = b - mu * a
    return a[None, :], c[None, :]



def kernel(xyz, features, W1, g1, b1, W2, g2, b2, W3, g3, b3):
    xyz_t = jnp.transpose(xyz, (0, 2, 1))
    new_xyz = _fps(xyz_t)
    idx = _ballq(xyz_t, new_xyz)
    idx_flat = idx.reshape(M_ROWS)

    feats_t = jnp.transpose(features, (0, 2, 1))
    table = jnp.concatenate(
        [xyz, feats_t,
         jnp.zeros((B, N, D_PAD - 3 - C_IN), jnp.float32)], axis=-1)
    table = table.reshape(B * N, D_PAD)
    X = _gather_rows(table, idx_flat)

    rep_c = jnp.broadcast_to(new_xyz[:, :, None, :],
                             (B, NPOINT, NSAMPLE, 3)).reshape(M_ROWS, 3)
    C8 = jnp.concatenate([rep_c, jnp.zeros((M_ROWS, 5), jnp.float32)], axis=-1)

    c1_, c2_, c3_ = W1.shape[0], W2.shape[0], W3.shape[0]
    W1p = jnp.concatenate(
        [W1.T, jnp.zeros((D_PAD - W1.shape[1], c1_), jnp.float32)], axis=0)
    Wx8 = jnp.concatenate(
        [W1[:, :3].T, jnp.zeros((5, c1_), jnp.float32)], axis=0)

    y1, st1 = _p1(X, C8, W1p, Wx8, c1_)
    a1, k1 = _bn_affine(st1, g1, b1)
    y2, st2 = _p2(y1, a1, k1, W2.T, c1_, c2_)
    a2, k2 = _bn_affine(st2, g2, b2)
    mx, mn, st3 = _p3(y2, a2, k2, W3.T, c2_, c3_)
    a3, k3 = _bn_affine(st3, g3, b3)
    new_features = _p4(mx, mn, a3, k3, c3_)

    return (new_xyz, new_features)

# --- scband reference (transcript-rebuilt; emitter-appended) ---
"""Pipeline reference for scband-pointnet-samodule-2628519985461 (READ-ONLY COPY).

The authoritative reference and input builder live on the scoring server;
editing this copy changes nothing except your own understanding.
"""

import jax, jax.numpy as jnp
import numpy as np

B, N, C_IN = 4, 8192, 64
NPOINT, NSAMPLE, RADIUS = 1024, 32, 0.12
MLP = [C_IN + 3, 64, 64, 128]
EPS = 1e-5

def fps(xyz, npoint):
    Bb, Nn, _ = xyz.shape
    def body(i, state):
        dists, idxs, last = state
        last_xyz = jnp.take_along_axis(xyz, last[:, None, None], axis=1)
        d = jnp.sum((xyz - last_xyz) ** 2, axis=-1)
        dists = jnp.minimum(dists, d)
        nxt = jnp.argmax(dists, axis=-1).astype(jnp.int32)
        idxs = idxs.at[:, i].set(nxt)
        return (dists, idxs, nxt)
    idxs = jnp.zeros((Bb, npoint), jnp.int32)
    state = (jnp.full((Bb, Nn), 1e10, jnp.float32), idxs, jnp.zeros((Bb,), jnp.int32))
    _, idxs, _ = jax.lax.fori_loop(1, npoint, body, state)
    return idxs

def ball_query(xyz, new_xyz, radius, nsample):
    Nn = xyz.shape[1]
    d2 = (jnp.sum(new_xyz ** 2, -1)[:, :, None] + jnp.sum(xyz ** 2, -1)[:, None, :]
          - 2.0 * jnp.einsum('bsd,bnd->bsn', new_xyz, xyz))
    cand = jnp.where(d2 < radius * radius, jnp.arange(Nn, dtype=jnp.int32)[None, None, :], Nn)
    cand = jnp.sort(cand, axis=-1)[:, :, :nsample]
    idx = jnp.where(cand == Nn, cand[:, :, :1], cand)
    return idx.astype(jnp.int32)

def conv_bn_relu(x, W, g, b):
    y = jnp.einsum('oc,bcsk->bosk', W, x)
    mean = jnp.mean(y, axis=(0, 2, 3), keepdims=True)
    var = jnp.mean((y - mean) ** 2, axis=(0, 2, 3), keepdims=True)
    y = g[None, :, None, None] * (y - mean) / jnp.sqrt(var + EPS) + b[None, :, None, None]
    return jax.nn.relu(y)

def setup_inputs(seed: int = 0):
    key = jax.random.key(seed)
    ks = jax.random.split(key, 8)
    xyz = jax.random.uniform(ks[0], (B, N, 3), dtype=jnp.float32)
    features = jax.random.normal(ks[1], (B, C_IN, N), dtype=jnp.float32)
    W1 = jax.random.normal(ks[2], (MLP[1], MLP[0]), dtype=jnp.float32) * (1.0 / np.sqrt(MLP[0]))
    W2 = jax.random.normal(ks[3], (MLP[2], MLP[1]), dtype=jnp.float32) * (1.0 / np.sqrt(MLP[1]))
    W3 = jax.random.normal(ks[4], (MLP[3], MLP[2]), dtype=jnp.float32) * (1.0 / np.sqrt(MLP[2]))
    g1 = jnp.ones((MLP[1],), jnp.float32); b1 = jnp.zeros((MLP[1],), jnp.float32)
    g2 = jnp.ones((MLP[2],), jnp.float32); b2 = jnp.zeros((MLP[2],), jnp.float32)
    g3 = jnp.ones((MLP[3],), jnp.float32); b3 = jnp.zeros((MLP[3],), jnp.float32)
    return {"xyz": xyz, "features": features, "W1": W1, "g1": g1, "b1": b1,
            "W2": W2, "g2": g2, "b2": b2, "W3": W3, "g3": g3, "b3": b3}

def reference(xyz, features, W1, g1, b1, W2, g2, b2, W3, g3, b3):
    sidx = fps(jax.lax.stop_gradient(xyz), NPOINT)
    new_xyz = jnp.take_along_axis(xyz, sidx[:, :, None], axis=1)
    idx = ball_query(jax.lax.stop_gradient(xyz), jax.lax.stop_gradient(new_xyz), RADIUS, NSAMPLE)
    grouped_xyz = jnp.take_along_axis(xyz[:, None, :, :], idx[:, :, :, None], axis=2)
    grouped_xyz = (grouped_xyz - new_xyz[:, :, None, :]).transpose(0, 3, 1, 2)
    feats_t = features.transpose(0, 2, 1)
    grouped_feats = jnp.take_along_axis(feats_t[:, None, :, :], idx[:, :, :, None], axis=2).transpose(0, 3, 1, 2)
    x = jnp.concatenate([grouped_xyz, grouped_feats], axis=1)
    x = conv_bn_relu(x, W1, g1, b1)
    x = conv_bn_relu(x, W2, g2, b2)
    x = conv_bn_relu(x, W3, g3, b3)
    new_features = jnp.max(x, axis=-1)
    return (new_xyz, new_features)

if __name__ == "__main__":
    import jax
    _d = setup_inputs()
    print(jax.jit(kernel)(*tuple(_d.values())))

</pallas_src>

<mosaic_0001>
#map = affine_map<(d0, d1) -> (0, 0)>
#map1 = affine_map<(d0, d1) -> (0)>
module attributes {stable_mosaic.version = 14 : i64} {
  func.func @k(%arg0: i32, %arg1: i32, %arg2: memref<32768x128xf32, #tpu.memory_space<hbm>>, %arg3: memref<131072xi32, #tpu.memory_space<hbm>>, %arg4: memref<131072x128xf32, #tpu.memory_space<hbm>>, %arg5: memref<512xi32, #tpu.memory_space<vmem>>, %arg6: memref<512x128xf32, #tpu.memory_space<vmem>>, %arg7: memref<!tpu.dma_semaphore, #tpu.memory_space<semaphore_mem>>) attributes {dimension_semantics = [#tpu.dimension_semantics<core_parallel>, #tpu.dimension_semantics<subcore_parallel>], iteration_bounds = array<i64: 2, 16>, scalar_prefetch = 0 : i64, scratch_operands = 3 : i64, tpu.core_type = #tpu.core_type<sc_vector_subcore>, window_params = [{transform_indices = #map}, {transform_indices = #map1}, {transform_indices = #map}]} {
    %mul3A = arith.constant 2 : i32
    %mul3A_0 = arith.muli %arg1, %mul3A : i32
    %add3A = arith.addi %mul3A_0, %arg0 : i32
    %mul3A_1 = arith.constant 4096 : i32
    %mul3A_2 = arith.muli %add3A, %mul3A_1 : i32
    %scan3A = arith.constant 0 : i32
    %scan3A_3 = arith.constant 0 : i32
    %scan3A_4 = arith.constant 8 : i32
    %scan3A_5 = arith.addi %scan3A_3, %scan3A_4 : i32
    %scan3A_6 = arith.constant 1 : i32
    scf.for %scan3A_8 = %scan3A_3 to %scan3A_5 step %scan3A_6  : i32 {
      %mul3A_9 = arith.constant 512 : i32
      %mul3A_10 = arith.muli %scan3A_8, %mul3A_9 : i32
      %add3A_11 = arith.addi %mul3A_2, %mul3A_10 : i32
      "tpu.region"() ({
        %run_scoped3A = tpu.sem_alloc : memref<!tpu.dma_semaphore, #tpu.memory_space<semaphore_mem>>
        %dma_start3A_16 = tpu.memref_slice %arg3[%add3A_11] : memref<131072xi32, #tpu.memory_space<hbm>> -> memref<512xi32, #tpu.memory_space<hbm>>
        %dma_start3A_17 = tpu.memref_slice %arg3[%add3A_11] : memref<131072xi32, #tpu.memory_space<hbm>> -> memref<512xi32, #tpu.memory_space<hbm>>
        tpu.enqueue_dma source(%dma_start3A_17 : memref<512xi32, #tpu.memory_space<hbm>>) target(%arg5 : memref<512xi32, #tpu.memory_space<vmem>>) target_semaphore(%run_scoped3A : memref<!tpu.dma_semaphore, #tpu.memory_space<semaphore_mem>>)
        %dma_wait3A_18 = tpu.memref_slice %arg3[%add3A_11] : memref<131072xi32, #tpu.memory_space<hbm>> -> memref<512xi32, #tpu.memory_space<hbm>>
        %dma_wait3A_19 = tpu.memref_slice %arg3[%add3A_11] : memref<131072xi32, #tpu.memory_space<hbm>> -> memref<512xi32, #tpu.memory_space<hbm>>
        tpu.wait_dma2 semaphore(%run_scoped3A : memref<!tpu.dma_semaphore, #tpu.memory_space<semaphore_mem>>) src(%dma_wait3A_19 : memref<512xi32, #tpu.memory_space<hbm>>) dst(%arg5 : memref<512xi32, #tpu.memory_space<vmem>>)
        tpu.yield
      }) : () -> ()
      %dma_start3A = arith.constant 0 : i32
      %dma_start3A_12 = arith.constant 0 : i32
      %dma_start3A_13 = tpu.memref_slice %arg2[%dma_start3A, %dma_start3A_12] : memref<32768x128xf32, #tpu.memory_space<hbm>> -> memref<32768x128xf32, #tpu.memory_space<hbm>>
      tpu.enqueue_indirect_dma source(%dma_start3A_13 : memref<32768x128xf32, #tpu.memory_space<hbm>>) target(%arg6 : memref<512x128xf32, #tpu.memory_space<vmem>>) offsets(%arg5 : memref<512xi32, #tpu.memory_space<vmem>>) semaphore(%arg7 : memref<!tpu.dma_semaphore, #tpu.memory_space<semaphore_mem>>)
      %dma_wait3A = arith.constant 0 : i32
      %dma_wait3A_14 = arith.constant 0 : i32
      %dma_wait3A_15 = tpu.memref_slice %arg2[%dma_wait3A, %dma_wait3A_14] : memref<32768x128xf32, #tpu.memory_space<hbm>> -> memref<32768x128xf32, #tpu.memory_space<hbm>>
      tpu.wait_indirect_dma semaphore(%arg7 : memref<!tpu.dma_semaphore, #tpu.memory_space<semaphore_mem>>) src(%dma_wait3A_15 : memref<32768x128xf32, #tpu.memory_space<hbm>>) dst(%arg6 : memref<512x128xf32, #tpu.memory_space<vmem>>)
      "tpu.region"() ({
        %run_scoped3A = tpu.sem_alloc : memref<!tpu.dma_semaphore, #tpu.memory_space<semaphore_mem>>
        %dma_start3A_16 = arith.constant 0 : i32
        %dma_start3A_17 = tpu.memref_slice %arg4[%add3A_11, %dma_start3A_16] : memref<131072x128xf32, #tpu.memory_space<hbm>> -> memref<512x128xf32, #tpu.memory_space<hbm>>
        %dma_start3A_18 = arith.constant 0 : i32
        %dma_start3A_19 = tpu.memref_slice %arg4[%add3A_11, %dma_start3A_18] : memref<131072x128xf32, #tpu.memory_space<hbm>> -> memref<512x128xf32, #tpu.memory_space<hbm>>
        tpu.enqueue_dma source(%arg6 : memref<512x128xf32, #tpu.memory_space<vmem>>) target(%dma_start3A_19 : memref<512x128xf32, #tpu.memory_space<hbm>>) target_semaphore(%run_scoped3A : memref<!tpu.dma_semaphore, #tpu.memory_space<semaphore_mem>>)
        %dma_wait3A_20 = arith.constant 0 : i32
        %dma_wait3A_21 = tpu.memref_slice %arg4[%add3A_11, %dma_wait3A_20] : memref<131072x128xf32, #tpu.memory_space<hbm>> -> memref<512x128xf32, #tpu.memory_space<hbm>>
        %dma_wait3A_22 = arith.constant 0 : i32
        %dma_wait3A_23 = tpu.memref_slice %arg4[%add3A_11, %dma_wait3A_22] : memref<131072x128xf32, #tpu.memory_space<hbm>> -> memref<512x128xf32, #tpu.memory_space<hbm>>
        tpu.wait_dma2 semaphore(%run_scoped3A : memref<!tpu.dma_semaphore, #tpu.memory_space<semaphore_mem>>) src(%arg6 : memref<512x128xf32, #tpu.memory_space<vmem>>) dst(%dma_wait3A_23 : memref<512x128xf32, #tpu.memory_space<hbm>>)
        tpu.yield
      }) : () -> ()
    }
    %scan3A_7 = arith.constant 8 : i32
    return
  }
}

module attributes {stable_mosaic.version = 14 : i64} {
  func.func @_fps_body(%arg0: memref<4x3x8192xf32, #tpu.memory_space<vmem>>, %arg1: memref<4x1024x3xf32, #tpu.memory_space<vmem>>, %arg2: memref<4x8192xf32, #tpu.memory_space<vmem>>) attributes {dimension_semantics = [], scalar_prefetch = 0 : i64, scratch_operands = 1 : i64, tpu.core_type = #tpu.core_type<tc>} {
    %get3A = arith.constant 0 : index
    %get3A_0 = arith.constant 0 : index
    %get3A_1 = arith.constant 0 : index
    %get3A_2 = vector.load %arg0[%get3A, %get3A_0, %get3A_1] : memref<4x3x8192xf32, #tpu.memory_space<vmem>>, vector<4x1x8192xf32>
    %get3A_3 = vector.shape_cast %get3A_2 : vector<4x1x8192xf32> to vector<4x8192xf32>
    %get3A_4 = arith.constant 0 : index
    %get3A_5 = arith.constant 1 : index
    %get3A_6 = arith.constant 0 : index
    %get3A_7 = vector.load %arg0[%get3A_4, %get3A_5, %get3A_6] : memref<4x3x8192xf32, #tpu.memory_space<vmem>>, vector<4x1x8192xf32>
    %get3A_8 = vector.shape_cast %get3A_7 : vector<4x1x8192xf32> to vector<4x8192xf32>
    %get3A_9 = arith.constant 0 : index
    %get3A_10 = arith.constant 2 : index
    %get3A_11 = arith.constant 0 : index
    %get3A_12 = vector.load %arg0[%get3A_9, %get3A_10, %get3A_11] : memref<4x3x8192xf32, #tpu.memory_space<vmem>>, vector<4x1x8192xf32>
    %get3A_13 = vector.shape_cast %get3A_12 : vector<4x1x8192xf32> to vector<4x8192xf32>
    %concatenate3A = tpu.concatenate %get3A_3, %get3A_8, %get3A_13 in 0 : vector<4x8192xf32>, vector<4x8192xf32>, vector<4x8192xf32> -> vector<12x8192xf32>
    %iota3A = tpu.iota {dimensions = array<i32: 1>} : vector<4x8192xi32>
    %iota3A_14 = tpu.iota {dimensions = array<i32: 1>} : vector<12x8192xi32>
    %broadcast_in_dim3A = arith.constant 1.000000e+10 : f32
    %broadcast_in_dim3A_15 = vector.broadcast %broadcast_in_dim3A : f32 to vector<4x8192xf32>
    %swap3A = arith.constant 0 : index
    %swap3A_16 = arith.constant 0 : index
    %swap3A_17 = vector.load %arg2[%swap3A, %swap3A_16] : memref<4x8192xf32, #tpu.memory_space<vmem>>, vector<4x8192xf32>
    tpu.vector_store %arg2[%swap3A, %swap3A_16], %broadcast_in_dim3A_15 {strides = array<i32>} : memref<4x8192xf32, #tpu.memory_space<vmem>>, vector<4x8192xf32>,
    %broadcast_in_dim3A_18 = arith.constant 0 : i32
    %broadcast_in_dim3A_19 = vector.broadcast %broadcast_in_dim3A_18 : i32 to vector<4x1xi32>
    %scan3A = arith.constant 1 : i32
    %scan3A_20 = arith.constant 1023 : i32
    %scan3A_21 = arith.addi %scan3A, %scan3A_20 : i32
    %scan3A_22 = arith.constant 1 : i32
    %scan3A_23 = scf.for %scan3A_40 = %scan3A to %scan3A_21 step %scan3A_22 iter_args(%scan3A_41 = %broadcast_in_dim3A_19) -> (vector<4x1xi32>)  : i32 {
      %concatenate3A_42 = tpu.concatenate %scan3A_41, %scan3A_41, %scan3A_41 in 0 : vector<4x1xi32>, vector<4x1xi32>, vector<4x1xi32> -> vector<12x1xi32>
      %eq3A_43 = vector.broadcast %concatenate3A_42 : vector<12x1xi32> to vector<12x8192xi32>
      %eq3A_44 = arith.cmpi eq, %iota3A_14, %eq3A_43 : vector<12x8192xi32>
      %jit3A_45 = arith.constant 0.000000e+00 : f32
      %broadcast_in_dim3A_46 = vector.broadcast %jit3A_45 : f32 to vector<12x8192xf32>
      %select_n3A_47 = arith.select %eq3A_44, %concatenate3A, %broadcast_in_dim3A_46 : vector<12x8192xi1>, vector<12x8192xf32>
      %reduce_sum3A_48 = arith.constant dense<0.000000e+00> : vector<12xf32>
      %reduce_sum3A_49 = vector.multi_reduction <add>, %select_n3A_47, %reduce_sum3A_48 [1] : vector<12x8192xf32> to vector<12xf32>
      %broadcast_in_dim3A_50 = vector.shape_cast %reduce_sum3A_49 : vector<12xf32> to vector<12x1xf32>
      %slice3A_51 = vector.extract_strided_slice %broadcast_in_dim3A_50 {offsets = [0, 0], sizes = [4, 1], strides = [1, 1]} : vector<12x1xf32> to vector<4x1xf32>
      %slice3A_52 = vector.extract_strided_slice %broadcast_in_dim3A_50 {offsets = [4, 0], sizes = [4, 1], strides = [1, 1]} : vector<12x1xf32> to vector<4x1xf32>
      %slice3A_53 = vector.extract_strided_slice %broadcast_in_dim3A_50 {offsets = [8, 0], sizes = [4, 1], strides = [1, 1]} : vector<12x1xf32> to vector<4x1xf32>
      %broadcast_in_dim3A_54 = vector.shape_cast %slice3A_51 : vector<4x1xf32> to vector<4x1x1xf32>
      %broadcast_in_dim3A_55 = vector.shape_cast %slice3A_52 : vector<4x1xf32> to vector<4x1x1xf32>
      %broadcast_in_dim3A_56 = vector.shape_cast %slice3A_53 : vector<4x1xf32> to vector<4x1x1xf32>
      %concatenate3A_57 = tpu.concatenate %broadcast_in_dim3A_54, %broadcast_in_dim3A_55, %broadcast_in_dim3A_56 in 2 : vector<4x1x1xf32>, vector<4x1x1xf32>, vector<4x1x1xf32> -> vector<4x1x3xf32>
      %sub3A = arith.constant 1 : i32
      %sub3A_58 = arith.subi %scan3A_40, %sub3A : i32
      %swap3A_59 = arith.constant 0 : index
      %swap3A_60 = arith.index_cast %sub3A_58 : i32 to index
      %swap3A_61 = arith.constant 0 : index
      %swap3A_62 = vector.load %arg1[%swap3A_59, %swap3A_60, %swap3A_61] : memref<4x1024x3xf32, #tpu.memory_space<vmem>>, vector<4x1x3xf32>
      tpu.vector_store %arg1[%swap3A_59, %swap3A_60, %swap3A_61], %concatenate3A_57 {strides = array<i32>} : memref<4x1024x3xf32, #tpu.memory_space<vmem>>, vector<4x1x3xf32>,
      %sub3A_63 = vector.broadcast %slice3A_51 : vector<4x1xf32> to vector<4x8192xf32>
      %sub3A_64 = arith.subf %get3A_3, %sub3A_63 : vector<4x8192xf32>
      %integer_pow3A = arith.mulf %sub3A_64, %sub3A_64 : vector<4x8192xf32>
      %sub3A_65 = vector.broadcast %slice3A_52 : vector<4x1xf32> to vector<4x8192xf32>
      %sub3A_66 = arith.subf %get3A_8, %sub3A_65 : vector<4x8192xf32>
      %integer_pow3A_67 = arith.mulf %sub3A_66, %sub3A_66 : vector<4x8192xf32>
      %add3A = arith.addf %integer_pow3A, %integer_pow3A_67 : vector<4x8192xf32>
      %sub3A_68 = vector.broadcast %slice3A_53 : vector<4x1xf32> to vector<4x8192xf32>
      %sub3A_69 = arith.subf %get3A_13, %sub3A_68 : vector<4x8192xf32>
      %integer_pow3A_70 = arith.mulf %sub3A_69, %sub3A_69 : vector<4x8192xf32>
      %add3A_71 = arith.addf %add3A, %integer_pow3A_70 : vector<4x8192xf32>
      %get3A_72 = arith.constant 0 : index
      %get3A_73 = arith.constant 0 : index
      %get3A_74 = vector.load %arg2[%get3A_72, %get3A_73] : memref<4x8192xf32, #tpu.memory_space<vmem>>, vector<4x8192xf32>
      %min3A = arith.minimumf %get3A_74, %add3A_71 : vector<4x8192xf32>
      %swap3A_75 = arith.constant 0 : index
      %swap3A_76 = arith.constant 0 : index
      %swap3A_77 = vector.load %arg2[%swap3A_75, %swap3A_76] : memref<4x8192xf32, #tpu.memory_space<vmem>>, vector<4x8192xf32>
      tpu.vector_store %arg2[%swap3A_75, %swap3A_76], %min3A {strides = array<i32>} : memref<4x8192xf32, #tpu.memory_space<vmem>>, vector<4x8192xf32>,
      %reduce_max3A = arith.constant dense<0xFF800000> : vector<4xf32>
      %reduce_max3A_78 = vector.multi_reduction <maximumf>, %min3A, %reduce_max3A [1] : vector<4x8192xf32> to vector<4xf32>
      %broadcast_in_dim3A_79 = vector.shape_cast %reduce_max3A_78 : vector<4xf32> to vector<4x1xf32>
      %eq3A_80 = vector.broadcast %broadcast_in_dim3A_79 : vector<4x1xf32> to vector<4x8192xf32>
      %eq3A_81 = arith.cmpf oeq, %min3A, %eq3A_80 : vector<4x8192xf32>
      %jit3A_82 = arith.constant 8192 : i32
      %broadcast_in_dim3A_83 = vector.broadcast %jit3A_82 : i32 to vector<4x8192xi32>
      %select_n3A_84 = arith.select %eq3A_81, %iota3A, %broadcast_in_dim3A_83 : vector<4x8192xi1>, vector<4x8192xi32>
      %reduce_min3A = arith.constant dense<2147483647> : vector<4xi32>
      %reduce_min3A_85 = vector.multi_reduction <minsi>, %select_n3A_84, %reduce_min3A [1] : vector<4x8192xi32> to vector<4xi32>
      %broadcast_in_dim3A_86 = vector.shape_cast %reduce_min3A_85 : vector<4xi32> to vector<4x1xi32>
      scf.yield %broadcast_in_dim3A_86 : vector<4x1xi32>
    }
    %scan3A_24 = arith.constant 1023 : i32
    %concatenate3A_25 = tpu.concatenate %scan3A_23, %scan3A_23, %scan3A_23 in 0 : vector<4x1xi32>, vector<4x1xi32>, vector<4x1xi32> -> vector<12x1xi32>
    %eq3A = vector.broadcast %concatenate3A_25 : vector<12x1xi32> to vector<12x8192xi32>
    %eq3A_26 = arith.cmpi eq, %iota3A_14, %eq3A : vector<12x8192xi32>
    %jit3A = arith.constant 0.000000e+00 : f32
    %broadcast_in_dim3A_27 = vector.broadcast %jit3A : f32 to vector<12x8192xf32>
    %select_n3A = arith.select %eq3A_26, %concatenate3A, %broadcast_in_dim3A_27 : vector<12x8192xi1>, vector<12x8192xf32>
    %reduce_sum3A = arith.constant dense<0.000000e+00> : vector<12xf32>
    %reduce_sum3A_28 = vector.multi_reduction <add>, %select_n3A, %reduce_sum3A [1] : vector<12x8192xf32> to vector<12xf32>
    %broadcast_in_dim3A_29 = vector.shape_cast %reduce_sum3A_28 : vector<12xf32> to vector<12x1xf32>
    %slice3A = vector.extract_strided_slice %broadcast_in_dim3A_29 {offsets = [0, 0], sizes = [4, 1], strides = [1, 1]} : vector<12x1xf32> to vector<4x1xf32>
    %slice3A_30 = vector.extract_strided_slice %broadcast_in_dim3A_29 {offsets = [4, 0], sizes = [4, 1], strides = [1, 1]} : vector<12x1xf32> to vector<4x1xf32>
    %slice3A_31 = vector.extract_strided_slice %broadcast_in_dim3A_29 {offsets = [8, 0], sizes = [4, 1], strides = [1, 1]} : vector<12x1xf32> to vector<4x1xf32>
    %broadcast_in_dim3A_32 = vector.shape_cast %slice3A : vector<4x1xf32> to vector<4x1x1xf32>
    %broadcast_in_dim3A_33 = vector.shape_cast %slice3A_30 : vector<4x1xf32> to vector<4x1x1xf32>
    %broadcast_in_dim3A_34 = vector.shape_cast %slice3A_31 : vector<4x1xf32> to vector<4x1x1xf32>
    %concatenate3A_35 = tpu.concatenate %broadcast_in_dim3A_32, %broadcast_in_dim3A_33, %broadcast_in_dim3A_34 in 2 : vector<4x1x1xf32>, vector<4x1x1xf32>, vector<4x1x1xf32> -> vector<4x1x3xf32>
    %swap3A_36 = arith.constant 0 : index
    %swap3A_37 = arith.constant 1023 : index
    %swap3A_38 = arith.constant 0 : index
    %swap3A_39 = vector.load %arg1[%swap3A_36, %swap3A_37, %swap3A_38] : memref<4x1024x3xf32, #tpu.memory_space<vmem>>, vector<4x1x3xf32>
    tpu.vector_store %arg1[%swap3A_36, %swap3A_37, %swap3A_38], %concatenate3A_35 {strides = array<i32>} : memref<4x1024x3xf32, #tpu.memory_space<vmem>>, vector<4x1x3xf32>,
    return
  }
}

module attributes {stable_mosaic.version = 14 : i64} {
  func.func @_ballq_body(%arg0: i32, %arg1: memref<1x3x8192xf32, #tpu.memory_space<vmem>>, %arg2: memref<1x256x3xf32, #tpu.memory_space<vmem>>, %arg3: memref<256x32xi32, #tpu.memory_space<vmem>>, %arg4: memref<256x512xi32, #tpu.memory_space<vmem>>) attributes {dimension_semantics = [#tpu.dimension_semantics<arbitrary>], iteration_bounds = array<i64: 16>, scalar_prefetch = 0 : i64, scratch_operands = 1 : i64, tpu.core_type = #tpu.core_type<tc>, window_params = [{transform_indices = @transform_0, window_bounds = array<i64: 1, 3, 8192>}, {transform_indices = @transform_1, window_bounds = array<i64: 1, 256, 3>}, {transform_indices = @transform_2, window_bounds = array<i64: 256, 32>}]} {
    %jit3A = arith.constant 4 : i32
    %div3A = arith.divsi %arg0, %jit3A : i32
    %sign3A = arith.constant 0 : i32
    %sign3A_0 = arith.cmpi sgt, %arg0, %sign3A : i32
    %sign3A_1 = arith.extui %sign3A_0 : i1 to i32
    %sign3A_2 = arith.constant 0 : i32
    %sign3A_3 = arith.cmpi slt, %arg0, %sign3A_2 : i32
    %sign3A_4 = arith.extui %sign3A_3 : i1 to i32
    %sign3A_5 = arith.subi %sign3A_1, %sign3A_4 : i32
    %sign3A_6 = arith.constant 0 : i32
    %sign3A_7 = arith.cmpi sgt, %jit3A, %sign3A_6 : i32
    %sign3A_8 = arith.extui %sign3A_7 : i1 to i32
    %sign3A_9 = arith.constant 0 : i32
    %sign3A_10 = arith.cmpi slt, %jit3A, %sign3A_9 : i32
    %sign3A_11 = arith.extui %sign3A_10 : i1 to i32
    %sign3A_12 = arith.subi %sign3A_8, %sign3A_11 : i32
    %ne3A = arith.cmpi ne, %sign3A_5, %sign3A_12 : i32
    %rem3A = arith.remsi %arg0, %jit3A : i32
    %ne3A_13 = arith.constant 0 : i32
    %ne3A_14 = arith.cmpi ne, %rem3A, %ne3A_13 : i32
    %and3A = arith.andi %ne3A, %ne3A_14 : i1
    %sub3A = arith.constant 1 : i32
    %sub3A_15 = arith.subi %div3A, %sub3A : i32
    %select_n3A = arith.select %and3A, %sub3A_15, %div3A : i32
    %get3A = arith.constant 0 : index
    %get3A_16 = arith.constant 0 : index
    %get3A_17 = arith.constant 0 : index
    %get3A_18 = vector.load %arg1[%get3A, %get3A_16, %get3A_17] : memref<1x3x8192xf32, #tpu.memory_space<vmem>>, vector<1x3x8192xf32>
    %get3A_19 = vector.shape_cast %get3A_18 : vector<1x3x8192xf32> to vector<3x8192xf32>
    %get3A_20 = arith.constant 0 : index
    %get3A_21 = arith.constant 0 : index
    %get3A_22 = arith.constant 0 : index
    %get3A_23 = vector.load %arg1[%get3A_20, %get3A_21, %get3A_22] : memref<1x3x8192xf32, #tpu.memory_space<vmem>>, vector<1x1x8192xf32>
    %get3A_24 = vector.shape_cast %get3A_23 : vector<1x1x8192xf32> to vector<1x8192xf32>
    %get3A_25 = arith.constant 0 : index
    %get3A_26 = arith.constant 1 : index
    %get3A_27 = arith.constant 0 : index
    %get3A_28 = vector.load %arg1[%get3A_25, %get3A_26, %get3A_27] : memref<1x3x8192xf32, #tpu.memory_space<vmem>>, vector<1x1x8192xf32>
    %get3A_29 = vector.shape_cast %get3A_28 : vector<1x1x8192xf32> to vector<1x8192xf32>
    %get3A_30 = arith.constant 0 : index
    %get3A_31 = arith.constant 2 : index
    %get3A_32 = arith.constant 0 : index
    %get3A_33 = vector.load %arg1[%get3A_30, %get3A_31, %get3A_32] : memref<1x3x8192xf32, #tpu.memory_space<vmem>>, vector<1x1x8192xf32>
    %get3A_34 = vector.shape_cast %get3A_33 : vector<1x1x8192xf32> to vector<1x8192xf32>
    %mul3A = arith.mulf %get3A_24, %get3A_24 : vector<1x8192xf32>
    %mul3A_35 = arith.mulf %get3A_29, %get3A_29 : vector<1x8192xf32>
    %add3A = arith.addf %mul3A, %mul3A_35 : vector<1x8192xf32>
    %mul3A_36 = arith.mulf %get3A_34, %get3A_34 : vector<1x8192xf32>
    %add3A_37 = arith.addf %add3A, %mul3A_36 : vector<1x8192xf32>
    %get3A_38 = arith.constant 0 : index
    %get3A_39 = arith.constant 0 : index
    %get3A_40 = arith.constant 0 : index
    %get3A_41 = vector.load %arg2[%get3A_38, %get3A_39, %get3A_40] : memref<1x256x3xf32, #tpu.memory_space<vmem>>, vector<1x256x3xf32>
    %get3A_42 = vector.shape_cast %get3A_41 : vector<1x256x3xf32> to vector<256x3xf32>
    %mul3A_43 = arith.mulf %get3A_42, %get3A_42 : vector<256x3xf32>
    %reduce_sum3A = arith.constant dense<0.000000e+00> : vector<256xf32>
    %reduce_sum3A_44 = vector.multi_reduction <add>, %mul3A_43, %reduce_sum3A [1] : vector<256x3xf32> to vector<256xf32>
    %broadcast_in_dim3A = vector.shape_cast %reduce_sum3A_44 : vector<256xf32> to vector<256x1xf32>
    %dot_general3A = arith.constant dense<0.000000e+00> : vector<256x8192xf32>
    %dot_general3A_45 = tpu.matmul %get3A_42, %get3A_19, %dot_general3A {dimension_numbers = #tpu.dot_dimension_numbers<[1], [0], [0], [1], [0, 0, 1, 1], [], []>, transpose_lhs_hint = false} : vector<256x3xf32>, vector<3x8192xf32>, vector<256x8192xf32> -> vector<256x8192xf32>
    %add3A_46 = vector.broadcast %broadcast_in_dim3A : vector<256x1xf32> to vector<256x8192xf32>
    %add3A_47 = vector.broadcast %add3A_37 : vector<1x8192xf32> to vector<256x8192xf32>
    %add3A_48 = arith.addf %add3A_46, %add3A_47 : vector<256x8192xf32>
    %mul3A_49 = arith.constant 2.000000e+00 : f32
    %mul3A_50 = vector.broadcast %mul3A_49 : f32 to vector<256x8192xf32>
    %mul3A_51 = arith.mulf %mul3A_50, %dot_general3A_45 : vector<256x8192xf32>
    %sub3A_52 = arith.subf %add3A_48, %mul3A_51 : vector<256x8192xf32>
    %lt3A = arith.constant 1.440000e-02 : f32
    %lt3A_53 = vector.broadcast %lt3A : f32 to vector<256x8192xf32>
    %lt3A_54 = arith.cmpf olt, %sub3A_52, %lt3A_53 : vector<256x8192xf32>
    %jit3A_55 = arith.constant 1 : i32
    %jit3A_56 = arith.constant 0 : i32
    %broadcast_in_dim3A_57 = vector.broadcast %jit3A_55 : i32 to vector<256x8192xi32>
    %broadcast_in_dim3A_58 = vector.broadcast %jit3A_56 : i32 to vector<256x8192xi32>
    %select_n3A_59 = arith.select %lt3A_54, %broadcast_in_dim3A_57, %broadcast_in_dim3A_58 : vector<256x8192xi1>, vector<256x8192xi32>
    %slice3A = vector.extract_strided_slice %select_n3A_59 {offsets = [0, 0], sizes = [256, 512], strides = [1, 1]} : vector<256x8192xi32> to vector<256x512xi32>
    %slice3A_60 = vector.extract_strided_slice %select_n3A_59 {offsets = [0, 512], sizes = [256, 512], strides = [1, 1]} : vector<256x8192xi32> to vector<256x512xi32>
    %shift_left3A = arith.constant 1 : i32
    %shift_left3A_61 = vector.broadcast %shift_left3A : i32 to vector<256x512xi32>
    %shift_left3A_62 = arith.shli %slice3A_60, %shift_left3A_61 : vector<256x512xi32>
    %add3A_63 = arith.addi %slice3A, %shift_left3A_62 : vector<256x512xi32>
    %slice3A_64 = vector.extract_strided_slice %select_n3A_59 {offsets = [0, 1024], sizes = [256, 512], strides = [1, 1]} : vector<256x8192xi32> to vector<256x512xi32>
    %shift_left3A_65 = arith.constant 2 : i32
    %shift_left3A_66 = vector.broadcast %shift_left3A_65 : i32 to vector<256x512xi32>
    %shift_left3A_67 = arith.shli %slice3A_64, %shift_left3A_66 : vector<256x512xi32>
    %add3A_68 = arith.addi %add3A_63, %shift_left3A_67 : vector<256x512xi32>
    %slice3A_69 = vector.extract_strided_slice %select_n3A_59 {offsets = [0, 1536], sizes = [256, 512], strides = [1, 1]} : vector<256x8192xi32> to vector<256x512xi32>
    %shift_left3A_70 = arith.constant 3 : i32
    %shift_left3A_71 = vector.broadcast %shift_left3A_70 : i32 to vector<256x512xi32>
    %shift_left3A_72 = arith.shli %slice3A_69, %shift_left3A_71 : vector<256x512xi32>
    %add3A_73 = arith.addi %add3A_68, %shift_left3A_72 : vector<256x512xi32>
    %slice3A_74 = vector.extract_strided_slice %select_n3A_59 {offsets = [0, 2048], sizes = [256, 512], strides = [1, 1]} : vector<256x8192xi32> to vector<256x512xi32>
    %shift_left3A_75 = arith.constant 4 : i32
    %shift_left3A_76 = vector.broadcast %shift_left3A_75 : i32 to vector<256x512xi32>
    %shift_left3A_77 = arith.shli %slice3A_74, %shift_left3A_76 : vector<256x512xi32>
    %add3A_78 = arith.addi %add3A_73, %shift_left3A_77 : vector<256x512xi32>
    %slice3A_79 = vector.extract_strided_slice %select_n3A_59 {offsets = [0, 2560], sizes = [256, 512], strides = [1, 1]} : vector<256x8192xi32> to vector<256x512xi32>
    %shift_left3A_80 = arith.constant 5 : i32
    %shift_left3A_81 = vector.broadcast %shift_left3A_80 : i32 to vector<256x512xi32>
    %shift_left3A_82 = arith.shli %slice3A_79, %shift_left3A_81 : vector<256x512xi32>
    %add3A_83 = arith.addi %add3A_78, %shift_left3A_82 : vector<256x512xi32>
    %slice3A_84 = vector.extract_strided_slice %select_n3A_59 {offsets = [0, 3072], sizes = [256, 512], strides = [1, 1]} : vector<256x8192xi32> to vector<256x512xi32>
    %shift_left3A_85 = arith.constant 6 : i32
    %shift_left3A_86 = vector.broadcast %shift_left3A_85 : i32 to vector<256x512xi32>
    %shift_left3A_87 = arith.shli %slice3A_84, %shift_left3A_86 : vector<256x512xi32>
    %add3A_88 = arith.addi %add3A_83, %shift_left3A_87 : vector<256x512xi32>
    %slice3A_89 = vector.extract_strided_slice %select_n3A_59 {offsets = [0, 3584], sizes = [256, 512], strides = [1, 1]} : vector<256x8192xi32> to vector<256x512xi32>
    %shift_left3A_90 = arith.constant 7 : i32
    %shift_left3A_91 = vector.broadcast %shift_left3A_90 : i32 to vector<256x512xi32>
    %shift_left3A_92 = arith.shli %slice3A_89, %shift_left3A_91 : vector<256x512xi32>
    %add3A_93 = arith.addi %add3A_88, %shift_left3A_92 : vector<256x512xi32>
    %slice3A_94 = vector.extract_strided_slice %select_n3A_59 {offsets = [0, 4096], sizes = [256, 512], strides = [1, 1]} : vector<256x8192xi32> to vector<256x512xi32>
    %shift_left3A_95 = arith.constant 8 : i32
    %shift_left3A_96 = vector.broadcast %shift_left3A_95 : i32 to vector<256x512xi32>
    %shift_left3A_97 = arith.shli %slice3A_94, %shift_left3A_96 : vector<256x512xi32>
    %add3A_98 = arith.addi %add3A_93, %shift_left3A_97 : vector<256x512xi32>
    %slice3A_99 = vector.extract_strided_slice %select_n3A_59 {offsets = [0, 4608], sizes = [256, 512], strides = [1, 1]} : vector<256x8192xi32> to vector<256x512xi32>
    %shift_left3A_100 = arith.constant 9 : i32
    %shift_left3A_101 = vector.broadcast %shift_left3A_100 : i32 to vector<256x512xi32>
    %shift_left3A_102 = arith.shli %slice3A_99, %shift_left3A_101 : vector<256x512xi32>
    %add3A_103 = arith.addi %add3A_98, %shift_left3A_102 : vector<256x512xi32>
    %slice3A_104 = vector.extract_strided_slice %select_n3A_59 {offsets = [0, 5120], sizes = [256, 512], strides = [1, 1]} : vector<256x8192xi32> to vector<256x512xi32>
    %shift_left3A_105 = arith.constant 10 : i32
    %shift_left3A_106 = vector.broadcast %shift_left3A_105 : i32 to vector<256x512xi32>
    %shift_left3A_107 = arith.shli %slice3A_104, %shift_left3A_106 : vector<256x512xi32>
    %add3A_108 = arith.addi %add3A_103, %shift_left3A_107 : vector<256x512xi32>
    %slice3A_109 = vector.extract_strided_slice %select_n3A_59 {offsets = [0, 5632], sizes = [256, 512], strides = [1, 1]} : vector<256x8192xi32> to vector<256x512xi32>
    %shift_left3A_110 = arith.constant 11 : i32
    %shift_left3A_111 = vector.broadcast %shift_left3A_110 : i32 to vector<256x512xi32>
    %shift_left3A_112 = arith.shli %slice3A_109, %shift_left3A_111 : vector<256x512xi32>
    %add3A_113 = arith.addi %add3A_108, %shift_left3A_112 : vector<256x512xi32>
    %slice3A_114 = vector.extract_strided_slice %select_n3A_59 {offsets = [0, 6144], sizes = [256, 512], strides = [1, 1]} : vector<256x8192xi32> to vector<256x512xi32>
    %shift_left3A_115 = arith.constant 12 : i32
    %shift_left3A_116 = vector.broadcast %shift_left3A_115 : i32 to vector<256x512xi32>
    %shift_left3A_117 = arith.shli %slice3A_114, %shift_left3A_116 : vector<256x512xi32>
    %add3A_118 = arith.addi %add3A_113, %shift_left3A_117 : vector<256x512xi32>
    %slice3A_119 = vector.extract_strided_slice %select_n3A_59 {offsets = [0, 6656], sizes = [256, 512], strides = [1, 1]} : vector<256x8192xi32> to vector<256x512xi32>
    %shift_left3A_120 = arith.constant 13 : i32
    %shift_left3A_121 = vector.broadcast %shift_left3A_120 : i32 to vector<256x512xi32>
    %shift_left3A_122 = arith.shli %slice3A_119, %shift_left3A_121 : vector<256x512xi32>
    %add3A_123 = arith.addi %add3A_118, %shift_left3A_122 : vector<256x512xi32>
    %slice3A_124 = vector.extract_strided_slice %select_n3A_59 {offsets = [0, 7168], sizes = [256, 512], strides = [1, 1]} : vector<256x8192xi32> to vector<256x512xi32>
    %shift_left3A_125 = arith.constant 14 : i32
    %shift_left3A_126 = vector.broadcast %shift_left3A_125 : i32 to vector<256x512xi32>
    %shift_left3A_127 = arith.shli %slice3A_124, %shift_left3A_126 : vector<256x512xi32>
    %add3A_128 = arith.addi %add3A_123, %shift_left3A_127 : vector<256x512xi32>
    %slice3A_129 = vector.extract_strided_slice %select_n3A_59 {offsets = [0, 7680], sizes = [256, 512], strides = [1, 1]} : vector<256x8192xi32> to vector<256x512xi32>
    %shift_left3A_130 = arith.constant 15 : i32
    %shift_left3A_131 = vector.broadcast %shift_left3A_130 : i32 to vector<256x512xi32>
    %shift_left3A_132 = arith.shli %slice3A_129, %shift_left3A_131 : vector<256x512xi32>
    %add3A_133 = arith.addi %add3A_128, %shift_left3A_132 : vector<256x512xi32>
    %swap3A = arith.constant 0 : index
    %swap3A_134 = arith.constant 0 : index
    %swap3A_135 = vector.load %arg4[%swap3A, %swap3A_134] : memref<256x512xi32, #tpu.memory_space<vmem>>, vector<256x512xi32>
    tpu.vector_store %arg4[%swap3A, %swap3A_134], %add3A_133 {strides = array<i32>} : memref<256x512xi32, #tpu.memory_space<vmem>>, vector<256x512xi32>,
    %iota3A = tpu.iota {dimensions = array<i32: 1>} : vector<256x512xi32>
    %iota3A_136 = tpu.iota {dimensions = array<i32: 1>} : vector<256x32xi32>
    %broadcast_in_dim3A_137 = arith.constant 8192 : i32
    %broadcast_in_dim3A_138 = vector.broadcast %broadcast_in_dim3A_137 : i32 to vector<256x32xi32>
    %scan3A = arith.constant 0 : i32
    %scan3A_139 = arith.constant 32 : i32
    %scan3A_140 = arith.addi %scan3A, %scan3A_139 : i32
    %scan3A_141 = arith.constant 1 : i32
    %scan3A_142 = scf.for %scan3A_159 = %scan3A to %scan3A_140 step %scan3A_141 iter_args(%scan3A_160 = %broadcast_in_dim3A_138) -> (vector<256x32xi32>)  : i32 {
      %get3A_161 = arith.constant 0 : index
      %get3A_162 = arith.constant 0 : index
      %get3A_163 = vector.load %arg4[%get3A_161, %get3A_162] : memref<256x512xi32, #tpu.memory_space<vmem>>, vector<256x512xi32>
      %neg3A = arith.constant 0 : i32
      %neg3A_164 = vector.broadcast %neg3A : i32 to vector<256x512xi32>
      %neg3A_165 = arith.subi %neg3A_164, %get3A_163 : vector<256x512xi32>
      %and3A_166 = arith.andi %get3A_163, %neg3A_165 : vector<256x512xi32>
      %convert_element_type3A = arith.sitofp %and3A_166 : vector<256x512xi32> to vector<256x512xf32>
      %bitcast_convert_type3A = tpu.bitcast %convert_element_type3A : vector<256x512xf32> -> vector<256x512xi32>
      %shift_right_arithmetic3A = arith.constant 23 : i32
      %shift_right_arithmetic3A_167 = vector.broadcast %shift_right_arithmetic3A : i32 to vector<256x512xi32>
      %shift_right_arithmetic3A_168 = arith.shrsi %bitcast_convert_type3A, %shift_right_arithmetic3A_167 : vector<256x512xi32>
      %sub3A_169 = arith.constant 127 : i32
      %sub3A_170 = vector.broadcast %sub3A_169 : i32 to vector<256x512xi32>
      %sub3A_171 = arith.subi %shift_right_arithmetic3A_168, %sub3A_170 : vector<256x512xi32>
      %ne3A_172 = arith.constant 0 : i32
      %ne3A_173 = vector.broadcast %ne3A_172 : i32 to vector<256x512xi32>
      %ne3A_174 = arith.cmpi ne, %get3A_163, %ne3A_173 : vector<256x512xi32>
      %shift_left3A_175 = arith.constant 9 : i32
      %shift_left3A_176 = vector.broadcast %shift_left3A_175 : i32 to vector<256x512xi32>
      %shift_left3A_177 = arith.shli %sub3A_171, %shift_left3A_176 : vector<256x512xi32>
      %add3A_178 = arith.addi %shift_left3A_177, %iota3A : vector<256x512xi32>
      %jit3A_179 = arith.constant 8192 : i32
      %broadcast_in_dim3A_180 = vector.broadcast %jit3A_179 : i32 to vector<256x512xi32>
      %select_n3A_181 = arith.select %ne3A_174, %add3A_178, %broadcast_in_dim3A_180 : vector<256x512xi1>, vector<256x512xi32>
      %reduce_min3A = arith.constant dense<2147483647> : vector<256xi32>
      %reduce_min3A_182 = vector.multi_reduction <minsi>, %select_n3A_181, %reduce_min3A [1] : vector<256x512xi32> to vector<256xi32>
      %broadcast_in_dim3A_183 = vector.shape_cast %reduce_min3A_182 : vector<256xi32> to vector<256x1xi32>
      %lt3A_184 = arith.constant 8192 : i32
      %lt3A_185 = vector.broadcast %lt3A_184 : i32 to vector<256x1xi32>
      %lt3A_186 = arith.cmpi slt, %broadcast_in_dim3A_183, %lt3A_185 : vector<256x1xi32>
      %and3A_187 = arith.constant 511 : i32
      %and3A_188 = vector.broadcast %and3A_187 : i32 to vector<256x1xi32>
      %and3A_189 = arith.andi %broadcast_in_dim3A_183, %and3A_188 : vector<256x1xi32>
      %jit3A_190 = arith.constant -1 : i32
      %broadcast_in_dim3A_191 = vector.broadcast %jit3A_190 : i32 to vector<256x1xi32>
      %select_n3A_192 = arith.select %lt3A_186, %and3A_189, %broadcast_in_dim3A_191 : vector<256x1xi1>, vector<256x1xi32>
      %eq3A_193 = vector.broadcast %select_n3A_192 : vector<256x1xi32> to vector<256x512xi32>
      %eq3A_194 = arith.cmpi eq, %iota3A, %eq3A_193 : vector<256x512xi32>
      %sub3A_195 = arith.constant 1 : i32
      %sub3A_196 = vector.broadcast %sub3A_195 : i32 to vector<256x512xi32>
      %sub3A_197 = arith.subi %get3A_163, %sub3A_196 : vector<256x512xi32>
      %and3A_198 = arith.andi %get3A_163, %sub3A_197 : vector<256x512xi32>
      %select_n3A_199 = arith.select %eq3A_194, %and3A_198, %get3A_163 : vector<256x512xi1>, vector<256x512xi32>
      %swap3A_200 = arith.constant 0 : index
      %swap3A_201 = arith.constant 0 : index
      %swap3A_202 = vector.load %arg4[%swap3A_200, %swap3A_201] : memref<256x512xi32, #tpu.memory_space<vmem>>, vector<256x512xi32>
      tpu.vector_store %arg4[%swap3A_200, %swap3A_201], %select_n3A_199 {strides = array<i32>} : memref<256x512xi32, #tpu.memory_space<vmem>>, vector<256x512xi32>,
      %eq3A_203 = vector.broadcast %scan3A_159 : i32 to vector<256x32xi32>
      %eq3A_204 = arith.cmpi eq, %iota3A_136, %eq3A_203 : vector<256x32xi32>
      %broadcast_in_dim3A_205 = vector.shape_cast %broadcast_in_dim3A_183 : vector<256x1xi32> to vector<256x1xi32>
      %broadcast_in_dim3A_206 = vector.broadcast %broadcast_in_dim3A_205 : vector<256x1xi32> to vector<256x32xi32>
      %select_n3A_207 = arith.select %eq3A_204, %broadcast_in_dim3A_206, %scan3A_160 : vector<256x32xi1>, vector<256x32xi32>
      scf.yield %select_n3A_207 : vector<256x32xi32>
    }
    %scan3A_143 = arith.constant 32 : i32
    %eq3A = arith.constant 8192 : i32
    %eq3A_144 = vector.broadcast %eq3A : i32 to vector<256x32xi32>
    %eq3A_145 = arith.cmpi eq, %scan3A_142, %eq3A_144 : vector<256x32xi32>
    %slice3A_146 = vector.extract_strided_slice %scan3A_142 {offsets = [0, 0], sizes = [256, 1], strides = [1, 1]} : vector<256x32xi32> to vector<256x1xi32>
    %broadcast_in_dim3A_147 = vector.shape_cast %slice3A_146 : vector<256x1xi32> to vector<256x1xi32>
    %broadcast_in_dim3A_148 = vector.broadcast %broadcast_in_dim3A_147 : vector<256x1xi32> to vector<256x32xi32>
    %select_n3A_149 = arith.select %eq3A_145, %broadcast_in_dim3A_148, %scan3A_142 : vector<256x32xi1>, vector<256x32xi32>
    %min3A = arith.constant 8191 : i32
    %min3A_150 = vector.broadcast %min3A : i32 to vector<256x32xi32>
    %min3A_151 = arith.minsi %select_n3A_149, %min3A_150 : vector<256x32xi32>
    %mul3A_152 = arith.constant 8192 : i32
    %mul3A_153 = arith.muli %select_n3A, %mul3A_152 : i32
    %add3A_154 = vector.broadcast %mul3A_153 : i32 to vector<256x32xi32>
    %add3A_155 = arith.addi %min3A_151, %add3A_154 : vector<256x32xi32>
    %swap3A_156 = arith.constant 0 : index
    %swap3A_157 = arith.constant 0 : index
    %swap3A_158 = vector.load %arg3[%swap3A_156, %swap3A_157] : memref<256x32xi32, #tpu.memory_space<vmem>>, vector<256x32xi32>
    tpu.vector_store %arg3[%swap3A_156, %swap3A_157], %add3A_155 {strides = array<i32>} : memref<256x32xi32, #tpu.memory_space<vmem>>, vector<256x32xi32>,
    return
  }
  func.func @transform_0(%arg0: i32) -> (i32, i32, i32) {
    %jit3A = arith.constant 4 : i32
    %div3A = arith.divsi %arg0, %jit3A : i32
    %sign3A = arith.constant 0 : i32
    %sign3A_0 = arith.cmpi sgt, %arg0, %sign3A : i32
    %sign3A_1 = arith.extui %sign3A_0 : i1 to i32
    %sign3A_2 = arith.constant 0 : i32
    %sign3A_3 = arith.cmpi slt, %arg0, %sign3A_2 : i32
    %sign3A_4 = arith.extui %sign3A_3 : i1 to i32
    %sign3A_5 = arith.subi %sign3A_1, %sign3A_4 : i32
    %sign3A_6 = arith.constant 0 : i32
    %sign3A_7 = arith.cmpi sgt, %jit3A, %sign3A_6 : i32
    %sign3A_8 = arith.extui %sign3A_7 : i1 to i32
    %sign3A_9 = arith.constant 0 : i32
    %sign3A_10 = arith.cmpi slt, %jit3A, %sign3A_9 : i32
    %sign3A_11 = arith.extui %sign3A_10 : i1 to i32
    %sign3A_12 = arith.subi %sign3A_8, %sign3A_11 : i32
    %ne3A = arith.cmpi ne, %sign3A_5, %sign3A_12 : i32
    %rem3A = arith.remsi %arg0, %jit3A : i32
    %ne3A_13 = arith.constant 0 : i32
    %ne3A_14 = arith.cmpi ne, %rem3A, %ne3A_13 : i32
    %and3A = arith.andi %ne3A, %ne3A_14 : i1
    %sub3A = arith.constant 1 : i32
    %sub3A_15 = arith.subi %div3A, %sub3A : i32
    %select_n3A = arith.select %and3A, %sub3A_15, %div3A : i32
    %c0_i32 = arith.constant 0 : i32
    %c0_i32_16 = arith.constant 0 : i32
    %c0_i32_17 = arith.constant 0 : i32
    return %select_n3A, %c0_i32, %c0_i32_16 : i32, i32, i32
  }
  func.func @transform_1(%arg0: i32) -> (i32, i32, i32) {
    %jit3A = arith.constant 4 : i32
    %div3A = arith.divsi %arg0, %jit3A : i32
    %sign3A = arith.constant 0 : i32
    %sign3A_0 = arith.cmpi sgt, %arg0, %sign3A : i32
    %sign3A_1 = arith.extui %sign3A_0 : i1 to i32
    %sign3A_2 = arith.constant 0 : i32
    %sign3A_3 = arith.cmpi slt, %arg0, %sign3A_2 : i32
    %sign3A_4 = arith.extui %sign3A_3 : i1 to i32
    %sign3A_5 = arith.subi %sign3A_1, %sign3A_4 : i32
    %sign3A_6 = arith.constant 0 : i32
    %sign3A_7 = arith.cmpi sgt, %jit3A, %sign3A_6 : i32
    %sign3A_8 = arith.extui %sign3A_7 : i1 to i32
    %sign3A_9 = arith.constant 0 : i32
    %sign3A_10 = arith.cmpi slt, %jit3A, %sign3A_9 : i32
    %sign3A_11 = arith.extui %sign3A_10 : i1 to i32
    %sign3A_12 = arith.subi %sign3A_8, %sign3A_11 : i32
    %ne3A = arith.cmpi ne, %sign3A_5, %sign3A_12 : i32
    %rem3A = arith.remsi %arg0, %jit3A : i32
    %ne3A_13 = arith.constant 0 : i32
    %ne3A_14 = arith.cmpi ne, %rem3A, %ne3A_13 : i32
    %and3A = arith.andi %ne3A, %ne3A_14 : i1
    %sub3A = arith.constant 1 : i32
    %sub3A_15 = arith.subi %div3A, %sub3A : i32
    %select_n3A = arith.select %and3A, %sub3A_15, %div3A : i32
    %jit3A_16 = arith.constant 4 : i32
    %eq3A = arith.constant 0 : i32
    %eq3A_17 = arith.cmpi eq, %jit3A_16, %eq3A : i32
    %jit3A_18 = arith.constant 1 : i32
    %select_n3A_19 = arith.select %eq3A_17, %jit3A_18, %jit3A_16 : i32
    %rem3A_20 = arith.remsi %arg0, %select_n3A_19 : i32
    %ne3A_21 = arith.constant 0 : i32
    %ne3A_22 = arith.cmpi ne, %rem3A_20, %ne3A_21 : i32
    %lt3A = arith.constant 0 : i32
    %lt3A_23 = arith.cmpi slt, %rem3A_20, %lt3A : i32
    %lt3A_24 = arith.constant 0 : i32
    %lt3A_25 = arith.cmpi slt, %select_n3A_19, %lt3A_24 : i32
    %ne3A_26 = arith.xori %lt3A_23, %lt3A_25 : i1
    %and3A_27 = arith.andi %ne3A_26, %ne3A_22 : i1
    %add3A = arith.addi %rem3A_20, %select_n3A_19 : i32
    %select_n3A_28 = arith.select %and3A_27, %add3A, %rem3A_20 : i32
    %c0_i32 = arith.constant 0 : i32
    %c0_i32_29 = arith.constant 0 : i32
    return %select_n3A, %select_n3A_28, %c0_i32 : i32, i32, i32
  }
  func.func @transform_2(%arg0: i32) -> (i32, i32) {
    %c0_i32 = arith.constant 0 : i32
    %c0_i32_0 = arith.constant 0 : i32
    return %arg0, %c0_i32 : i32, i32
  }
}

module attributes {stable_mosaic.version = 14 : i64} {
  func.func @body(%arg0: i32, %arg1: memref<2048x128xf32, #tpu.memory_space<vmem>>, %arg2: memref<2048x8xf32, #tpu.memory_space<vmem>>, %arg3: memref<128x64xf32, #tpu.memory_space<vmem>>, %arg4: memref<8x64xf32, #tpu.memory_space<vmem>>, %arg5: memref<2048x64xf32, #tpu.memory_space<vmem>>, %arg6: memref<2x64xf32, #tpu.memory_space<vmem>>) attributes {dimension_semantics = [#tpu.dimension_semantics<arbitrary>], iteration_bounds = array<i64: 64>, scalar_prefetch = 0 : i64, scratch_operands = 0 : i64, tpu.core_type = #tpu.core_type<tc>, window_params = [{transform_indices = @transform_0, window_bounds = array<i64: 2048, 128>}, {transform_indices = @transform_1, window_bounds = array<i64: 2048, 8>}, {pipeline_mode = #tpu.pipeline_mode<synchronous>, transform_indices = @transform_2, window_bounds = array<i64: 128, 64>}, {pipeline_mode = #tpu.pipeline_mode<synchronous>, transform_indices = @transform_3, window_bounds = array<i64: 8, 64>}, {transform_indices = @transform_4, window_bounds = array<i64: 2048, 64>}, {pipeline_mode = #tpu.pipeline_mode<synchronous>, transform_indices = @transform_5, window_bounds = array<i64: 2, 64>}]} {
    %get3A = arith.constant 0 : index
    %get3A_0 = arith.constant 0 : index
    %get3A_1 = vector.load %arg1[%get3A, %get3A_0] : memref<2048x128xf32, #tpu.memory_space<vmem>>, vector<2048x128xf32>
    %get3A_2 = arith.constant 0 : index
    %get3A_3 = arith.constant 0 : index
    %get3A_4 = vector.load %arg3[%get3A_2, %get3A_3] : memref<128x64xf32, #tpu.memory_space<vmem>>, vector<128x64xf32>
    %dot_general3A = arith.constant dense<0.000000e+00> : vector<2048x64xf32>
    %dot_general3A_5 = tpu.matmul %get3A_1, %get3A_4, %dot_general3A {dimension_numbers = #tpu.dot_dimension_numbers<[1], [0], [0], [1], [0, 0, 1, 1], [], []>, transpose_lhs_hint = false} : vector<2048x128xf32>, vector<128x64xf32>, vector<2048x64xf32> -> vector<2048x64xf32>
    %get3A_6 = arith.constant 0 : index
    %get3A_7 = arith.constant 0 : index
    %get3A_8 = vector.load %arg2[%get3A_6, %get3A_7] : memref<2048x8xf32, #tpu.memory_space<vmem>>, vector<2048x8xf32>
    %get3A_9 = arith.constant 0 : index
    %get3A_10 = arith.constant 0 : index
    %get3A_11 = vector.load %arg4[%get3A_9, %get3A_10] : memref<8x64xf32, #tpu.memory_space<vmem>>, vector<8x64xf32>
    %dot_general3A_12 = arith.constant dense<0.000000e+00> : vector<2048x64xf32>
    %dot_general3A_13 = tpu.matmul %get3A_8, %get3A_11, %dot_general3A_12 {dimension_numbers = #tpu.dot_dimension_numbers<[1], [0], [0], [1], [0, 0, 1, 1], [], []>, transpose_lhs_hint = false} : vector<2048x8xf32>, vector<8x64xf32>, vector<2048x64xf32> -> vector<2048x64xf32>
    %sub3A = arith.subf %dot_general3A_5, %dot_general3A_13 : vector<2048x64xf32>
    %swap3A = arith.constant 0 : index
    %swap3A_14 = arith.constant 0 : index
    %swap3A_15 = vector.load %arg5[%swap3A, %swap3A_14] : memref<2048x64xf32, #tpu.memory_space<vmem>>, vector<2048x64xf32>
    tpu.vector_store %arg5[%swap3A, %swap3A_14], %sub3A {strides = array<i32>} : memref<2048x64xf32, #tpu.memory_space<vmem>>, vector<2048x64xf32>,
    %eq3A = arith.constant 0 : i32
    %eq3A_16 = arith.cmpi eq, %arg0, %eq3A : i32
    %convert_element_type3A = arith.extui %eq3A_16 : i1 to i32
    %cond3A = arith.constant 0 : i32
    %cond3A_17 = arith.cmpi ne, %convert_element_type3A, %cond3A : i32
    scf.if %cond3A_17 {
      %broadcast_in_dim3A_28 = arith.constant 0.000000e+00 : f32
      %broadcast_in_dim3A_29 = vector.broadcast %broadcast_in_dim3A_28 : f32 to vector<2x64xf32>
      %swap3A_30 = arith.constant 0 : index
      %swap3A_31 = arith.constant 0 : index
      %swap3A_32 = vector.load %arg6[%swap3A_30, %swap3A_31] : memref<2x64xf32, #tpu.memory_space<vmem>>, vector<2x64xf32>
      tpu.vector_store %arg6[%swap3A_30, %swap3A_31], %broadcast_in_dim3A_29 {strides = array<i32>} : memref<2x64xf32, #tpu.memory_space<vmem>>, vector<2x64xf32>,
    } else {
    }
    %reduce_sum3A = arith.constant dense<0.000000e+00> : vector<64xf32>
    %reduce_sum3A_18 = vector.multi_reduction <add>, %sub3A, %reduce_sum3A [0] : vector<2048x64xf32> to vector<64xf32>
    %broadcast_in_dim3A = vector.shape_cast %reduce_sum3A_18 : vector<64xf32> to vector<1x64xf32>
    %mul3A = arith.mulf %sub3A, %sub3A : vector<2048x64xf32>
    %reduce_sum3A_19 = arith.constant dense<0.000000e+00> : vector<64xf32>
    %reduce_sum3A_20 = vector.multi_reduction <add>, %mul3A, %reduce_sum3A_19 [0] : vector<2048x64xf32> to vector<64xf32>
    %broadcast_in_dim3A_21 = vector.shape_cast %reduce_sum3A_20 : vector<64xf32> to vector<1x64xf32>
    %get3A_22 = arith.constant 0 : index
    %get3A_23 = arith.constant 0 : index
    %get3A_24 = vector.load %arg6[%get3A_22, %get3A_23] : memref<2x64xf32, #tpu.memory_space<vmem>>, vector<2x64xf32>
    %concatenate3A = tpu.concatenate %broadcast_in_dim3A, %broadcast_in_dim3A_21 in 0 : vector<1x64xf32>, vector<1x64xf32> -> vector<2x64xf32>
    %add3A = arith.addf %get3A_24, %concatenate3A : vector<2x64xf32>
    %swap3A_25 = arith.constant 0 : index
    %swap3A_26 = arith.constant 0 : index
    %swap3A_27 = vector.load %arg6[%swap3A_25, %swap3A_26] : memref<2x64xf32, #tpu.memory_space<vmem>>, vector<2x64xf32>
    tpu.vector_store %arg6[%swap3A_25, %swap3A_26], %add3A {strides = array<i32>} : memref<2x64xf32, #tpu.memory_space<vmem>>, vector<2x64xf32>,
    return
  }
  func.func @transform_0(%arg0: i32) -> (i32, i32) {
    %c0_i32 = arith.constant 0 : i32
    %c0_i32_0 = arith.constant 0 : i32
    return %arg0, %c0_i32 : i32, i32
  }
  func.func @transform_1(%arg0: i32) -> (i32, i32) {
    %c0_i32 = arith.constant 0 : i32
    %c0_i32_0 = arith.constant 0 : i32
    return %arg0, %c0_i32 : i32, i32
  }
  func.func @transform_2(%arg0: i32) -> (i32, i32) {
    %c0_i32 = arith.constant 0 : i32
    %c0_i32_0 = arith.constant 0 : i32
    %c0_i32_1 = arith.constant 0 : i32
    return %c0_i32, %c0_i32_0 : i32, i32
  }
  func.func @transform_3(%arg0: i32) -> (i32, i32) {
    %c0_i32 = arith.constant 0 : i32
    %c0_i32_0 = arith.constant 0 : i32
    %c0_i32_1 = arith.constant 0 : i32
    return %c0_i32, %c0_i32_0 : i32, i32
  }
  func.func @transform_4(%arg0: i32) -> (i32, i32) {
    %c0_i32 = arith.constant 0 : i32
    %c0_i32_0 = arith.constant 0 : i32
    return %arg0, %c0_i32 : i32, i32
  }
  func.func @transform_5(%arg0: i32) -> (i32, i32) {
    %c0_i32 = arith.constant 0 : i32
    %c0_i32_0 = arith.constant 0 : i32
    %c0_i32_1 = arith.constant 0 : i32
    return %c0_i32, %c0_i32_0 : i32, i32
  }
}

module attributes {stable_mosaic.version = 14 : i64} {
  func.func @body(%arg0: i32, %arg1: memref<2048x64xf32, #tpu.memory_space<vmem>>, %arg2: memref<1x64xf32, #tpu.memory_space<vmem>>, %arg3: memref<1x64xf32, #tpu.memory_space<vmem>>, %arg4: memref<64x64xf32, #tpu.memory_space<vmem>>, %arg5: memref<2048x64xf32, #tpu.memory_space<vmem>>, %arg6: memref<2x64xf32, #tpu.memory_space<vmem>>) attributes {dimension_semantics = [#tpu.dimension_semantics<arbitrary>], iteration_bounds = array<i64: 64>, scalar_prefetch = 0 : i64, scratch_operands = 0 : i64, tpu.core_type = #tpu.core_type<tc>, window_params = [{transform_indices = @transform_0, window_bounds = array<i64: 2048, 64>}, {pipeline_mode = #tpu.pipeline_mode<synchronous>, transform_indices = @transform_1, window_bounds = array<i64: 1, 64>}, {pipeline_mode = #tpu.pipeline_mode<synchronous>, transform_indices = @transform_2, window_bounds = array<i64: 1, 64>}, {pipeline_mode = #tpu.pipeline_mode<synchronous>, transform_indices = @transform_3, window_bounds = array<i64: 64, 64>}, {transform_indices = @transform_4, window_bounds = array<i64: 2048, 64>}, {pipeline_mode = #tpu.pipeline_mode<synchronous>, transform_indices = @transform_5, window_bounds = array<i64: 2, 64>}]} {
    %get3A = arith.constant 0 : index
    %get3A_0 = arith.constant 0 : index
    %get3A_1 = vector.load %arg1[%get3A, %get3A_0] : memref<2048x64xf32, #tpu.memory_space<vmem>>, vector<2048x64xf32>
    %get3A_2 = arith.constant 0 : index
    %get3A_3 = arith.constant 0 : index
    %get3A_4 = vector.load %arg2[%get3A_2, %get3A_3] : memref<1x64xf32, #tpu.memory_space<vmem>>, vector<1x64xf32>
    %mul3A = vector.broadcast %get3A_4 : vector<1x64xf32> to vector<2048x64xf32>
    %mul3A_5 = arith.mulf %get3A_1, %mul3A : vector<2048x64xf32>
    %get3A_6 = arith.constant 0 : index
    %get3A_7 = arith.constant 0 : index
    %get3A_8 = vector.load %arg3[%get3A_6, %get3A_7] : memref<1x64xf32, #tpu.memory_space<vmem>>, vector<1x64xf32>
    %add3A = vector.broadcast %get3A_8 : vector<1x64xf32> to vector<2048x64xf32>
    %add3A_9 = arith.addf %mul3A_5, %add3A : vector<2048x64xf32>
    %max3A = arith.constant 0.000000e+00 : f32
    %max3A_10 = vector.broadcast %max3A : f32 to vector<2048x64xf32>
    %max3A_11 = arith.maximumf %add3A_9, %max3A_10 : vector<2048x64xf32>
    %get3A_12 = arith.constant 0 : index
    %get3A_13 = arith.constant 0 : index
    %get3A_14 = vector.load %arg4[%get3A_12, %get3A_13] : memref<64x64xf32, #tpu.memory_space<vmem>>, vector<64x64xf32>
    %dot_general3A = arith.constant dense<0.000000e+00> : vector<2048x64xf32>
    %dot_general3A_15 = tpu.matmul %max3A_11, %get3A_14, %dot_general3A {dimension_numbers = #tpu.dot_dimension_numbers<[1], [0], [0], [1], [0, 0, 1, 1], [], []>, transpose_lhs_hint = false} : vector<2048x64xf32>, vector<64x64xf32>, vector<2048x64xf32> -> vector<2048x64xf32>
    %swap3A = arith.constant 0 : index
    %swap3A_16 = arith.constant 0 : index
    %swap3A_17 = vector.load %arg5[%swap3A, %swap3A_16] : memref<2048x64xf32, #tpu.memory_space<vmem>>, vector<2048x64xf32>
    tpu.vector_store %arg5[%swap3A, %swap3A_16], %dot_general3A_15 {strides = array<i32>} : memref<2048x64xf32, #tpu.memory_space<vmem>>, vector<2048x64xf32>,
    %eq3A = arith.constant 0 : i32
    %eq3A_18 = arith.cmpi eq, %arg0, %eq3A : i32
    %convert_element_type3A = arith.extui %eq3A_18 : i1 to i32
    %cond3A = arith.constant 0 : i32
    %cond3A_19 = arith.cmpi ne, %convert_element_type3A, %cond3A : i32
    scf.if %cond3A_19 {
      %broadcast_in_dim3A_32 = arith.constant 0.000000e+00 : f32
      %broadcast_in_dim3A_33 = vector.broadcast %broadcast_in_dim3A_32 : f32 to vector<2x64xf32>
      %swap3A_34 = arith.constant 0 : index
      %swap3A_35 = arith.constant 0 : index
      %swap3A_36 = vector.load %arg6[%swap3A_34, %swap3A_35] : memref<2x64xf32, #tpu.memory_space<vmem>>, vector<2x64xf32>
      tpu.vector_store %arg6[%swap3A_34, %swap3A_35], %broadcast_in_dim3A_33 {strides = array<i32>} : memref<2x64xf32, #tpu.memory_space<vmem>>, vector<2x64xf32>,
    } else {
    }
    %reduce_sum3A = arith.constant dense<0.000000e+00> : vector<64xf32>
    %reduce_sum3A_20 = vector.multi_reduction <add>, %dot_general3A_15, %reduce_sum3A [0] : vector<2048x64xf32> to vector<64xf32>
    %broadcast_in_dim3A = vector.shape_cast %reduce_sum3A_20 : vector<64xf32> to vector<1x64xf32>
    %mul3A_21 = arith.mulf %dot_general3A_15, %dot_general3A_15 : vector<2048x64xf32>
    %reduce_sum3A_22 = arith.constant dense<0.000000e+00> : vector<64xf32>
    %reduce_sum3A_23 = vector.multi_reduction <add>, %mul3A_21, %reduce_sum3A_22 [0] : vector<2048x64xf32> to vector<64xf32>
    %broadcast_in_dim3A_24 = vector.shape_cast %reduce_sum3A_23 : vector<64xf32> to vector<1x64xf32>
    %get3A_25 = arith.constant 0 : index
    %get3A_26 = arith.constant 0 : index
    %get3A_27 = vector.load %arg6[%get3A_25, %get3A_26] : memref<2x64xf32, #tpu.memory_space<vmem>>, vector<2x64xf32>
    %concatenate3A = tpu.concatenate %broadcast_in_dim3A, %broadcast_in_dim3A_24 in 0 : vector<1x64xf32>, vector<1x64xf32> -> vector<2x64xf32>
    %add3A_28 = arith.addf %get3A_27, %concatenate3A : vector<2x64xf32>
    %swap3A_29 = arith.constant 0 : index
    %swap3A_30 = arith.constant 0 : index
    %swap3A_31 = vector.load %arg6[%swap3A_29, %swap3A_30] : memref<2x64xf32, #tpu.memory_space<vmem>>, vector<2x64xf32>
    tpu.vector_store %arg6[%swap3A_29, %swap3A_30], %add3A_28 {strides = array<i32>} : memref<2x64xf32, #tpu.memory_space<vmem>>, vector<2x64xf32>,
    return
  }
  func.func @transform_0(%arg0: i32) -> (i32, i32) {
    %c0_i32 = arith.constant 0 : i32
    %c0_i32_0 = arith.constant 0 : i32
    return %arg0, %c0_i32 : i32, i32
  }
  func.func @transform_1(%arg0: i32) -> (i32, i32) {
    %c0_i32 = arith.constant 0 : i32
    %c0_i32_0 = arith.constant 0 : i32
    %c0_i32_1 = arith.constant 0 : i32
    return %c0_i32, %c0_i32_0 : i32, i32
  }
  func.func @transform_2(%arg0: i32) -> (i32, i32) {
    %c0_i32 = arith.constant 0 : i32
    %c0_i32_0 = arith.constant 0 : i32
    %c0_i32_1 = arith.constant 0 : i32
    return %c0_i32, %c0_i32_0 : i32, i32
  }
  func.func @transform_3(%arg0: i32) -> (i32, i32) {
    %c0_i32 = arith.constant 0 : i32
    %c0_i32_0 = arith.constant 0 : i32
    %c0_i32_1 = arith.constant 0 : i32
    return %c0_i32, %c0_i32_0 : i32, i32
  }
  func.func @transform_4(%arg0: i32) -> (i32, i32) {
    %c0_i32 = arith.constant 0 : i32
    %c0_i32_0 = arith.constant 0 : i32
    return %arg0, %c0_i32 : i32, i32
  }
  func.func @transform_5(%arg0: i32) -> (i32, i32) {
    %c0_i32 = arith.constant 0 : i32
    %c0_i32_0 = arith.constant 0 : i32
    %c0_i32_1 = arith.constant 0 : i32
    return %c0_i32, %c0_i32_0 : i32, i32
  }
}

module attributes {stable_mosaic.version = 14 : i64} {
  func.func @body(%arg0: i32, %arg1: memref<2048x64xf32, #tpu.memory_space<vmem>>, %arg2: memref<1x64xf32, #tpu.memory_space<vmem>>, %arg3: memref<1x64xf32, #tpu.memory_space<vmem>>, %arg4: memref<64x128xf32, #tpu.memory_space<vmem>>, %arg5: memref<64x128xf32, #tpu.memory_space<vmem>>, %arg6: memref<64x128xf32, #tpu.memory_space<vmem>>, %arg7: memref<2x128xf32, #tpu.memory_space<vmem>>) attributes {dimension_semantics = [#tpu.dimension_semantics<arbitrary>], iteration_bounds = array<i64: 64>, scalar_prefetch = 0 : i64, scratch_operands = 0 : i64, tpu.core_type = #tpu.core_type<tc>, window_params = [{transform_indices = @transform_0, window_bounds = array<i64: 2048, 64>}, {pipeline_mode = #tpu.pipeline_mode<synchronous>, transform_indices = @transform_1, window_bounds = array<i64: 1, 64>}, {pipeline_mode = #tpu.pipeline_mode<synchronous>, transform_indices = @transform_2, window_bounds = array<i64: 1, 64>}, {pipeline_mode = #tpu.pipeline_mode<synchronous>, transform_indices = @transform_3, window_bounds = array<i64: 64, 128>}, {transform_indices = @transform_4, window_bounds = array<i64: 64, 128>}, {transform_indices = @transform_5, window_bounds = array<i64: 64, 128>}, {pipeline_mode = #tpu.pipeline_mode<synchronous>, transform_indices = @transform_6, window_bounds = array<i64: 2, 128>}]} {
    %get3A = arith.constant 0 : index
    %get3A_0 = arith.constant 0 : index
    %get3A_1 = vector.load %arg1[%get3A, %get3A_0] : memref<2048x64xf32, #tpu.memory_space<vmem>>, vector<2048x64xf32>
    %get3A_2 = arith.constant 0 : index
    %get3A_3 = arith.constant 0 : index
    %get3A_4 = vector.load %arg2[%get3A_2, %get3A_3] : memref<1x64xf32, #tpu.memory_space<vmem>>, vector<1x64xf32>
    %mul3A = vector.broadcast %get3A_4 : vector<1x64xf32> to vector<2048x64xf32>
    %mul3A_5 = arith.mulf %get3A_1, %mul3A : vector<2048x64xf32>
    %get3A_6 = arith.constant 0 : index
    %get3A_7 = arith.constant 0 : index
    %get3A_8 = vector.load %arg3[%get3A_6, %get3A_7] : memref<1x64xf32, #tpu.memory_space<vmem>>, vector<1x64xf32>
    %add3A = vector.broadcast %get3A_8 : vector<1x64xf32> to vector<2048x64xf32>
    %add3A_9 = arith.addf %mul3A_5, %add3A : vector<2048x64xf32>
    %max3A = arith.constant 0.000000e+00 : f32
    %max3A_10 = vector.broadcast %max3A : f32 to vector<2048x64xf32>
    %max3A_11 = arith.maximumf %add3A_9, %max3A_10 : vector<2048x64xf32>
    %get3A_12 = arith.constant 0 : index
    %get3A_13 = arith.constant 0 : index
    %get3A_14 = vector.load %arg4[%get3A_12, %get3A_13] : memref<64x128xf32, #tpu.memory_space<vmem>>, vector<64x128xf32>
    %dot_general3A = arith.constant dense<0.000000e+00> : vector<2048x128xf32>
    %dot_general3A_15 = tpu.matmul %max3A_11, %get3A_14, %dot_general3A {dimension_numbers = #tpu.dot_dimension_numbers<[1], [0], [0], [1], [0, 0, 1, 1], [], []>, transpose_lhs_hint = false} : vector<2048x64xf32>, vector<64x128xf32>, vector<2048x128xf32> -> vector<2048x128xf32>
    %eq3A = arith.constant 0 : i32
    %eq3A_16 = arith.cmpi eq, %arg0, %eq3A : i32
    %convert_element_type3A = arith.extui %eq3A_16 : i1 to i32
    %cond3A = arith.constant 0 : i32
    %cond3A_17 = arith.cmpi ne, %convert_element_type3A, %cond3A : i32
    scf.if %cond3A_17 {
      %broadcast_in_dim3A_482 = arith.constant 0.000000e+00 : f32
      %broadcast_in_dim3A_483 = vector.broadcast %broadcast_in_dim3A_482 : f32 to vector<2x128xf32>
      %swap3A_484 = arith.constant 0 : index
      %swap3A_485 = arith.constant 0 : index
      %swap3A_486 = vector.load %arg7[%swap3A_484, %swap3A_485] : memref<2x128xf32, #tpu.memory_space<vmem>>, vector<2x128xf32>
      tpu.vector_store %arg7[%swap3A_484, %swap3A_485], %broadcast_in_dim3A_483 {strides = array<i32>} : memref<2x128xf32, #tpu.memory_space<vmem>>, vector<2x128xf32>,
    } else {
    }
    %reduce_sum3A = arith.constant dense<0.000000e+00> : vector<128xf32>
    %reduce_sum3A_18 = vector.multi_reduction <add>, %dot_general3A_15, %reduce_sum3A [0] : vector<2048x128xf32> to vector<128xf32>
    %broadcast_in_dim3A = vector.shape_cast %reduce_sum3A_18 : vector<128xf32> to vector<1x128xf32>
    %mul3A_19 = arith.mulf %dot_general3A_15, %dot_general3A_15 : vector<2048x128xf32>
    %reduce_sum3A_20 = arith.constant dense<0.000000e+00> : vector<128xf32>
    %reduce_sum3A_21 = vector.multi_reduction <add>, %mul3A_19, %reduce_sum3A_20 [0] : vector<2048x128xf32> to vector<128xf32>
    %broadcast_in_dim3A_22 = vector.shape_cast %reduce_sum3A_21 : vector<128xf32> to vector<1x128xf32>
    %get3A_23 = arith.constant 0 : index
    %get3A_24 = arith.constant 0 : index
    %get3A_25 = vector.load %arg7[%get3A_23, %get3A_24] : memref<2x128xf32, #tpu.memory_space<vmem>>, vector<2x128xf32>
    %concatenate3A = tpu.concatenate %broadcast_in_dim3A, %broadcast_in_dim3A_22 in 0 : vector<1x128xf32>, vector<1x128xf32> -> vector<2x128xf32>
    %add3A_26 = arith.addf %get3A_25, %concatenate3A : vector<2x128xf32>
    %swap3A = arith.constant 0 : index
    %swap3A_27 = arith.constant 0 : index
    %swap3A_28 = vector.load %arg7[%swap3A, %swap3A_27] : memref<2x128xf32, #tpu.memory_space<vmem>>, vector<2x128xf32>
    tpu.vector_store %arg7[%swap3A, %swap3A_27], %add3A_26 {strides = array<i32>} : memref<2x128xf32, #tpu.memory_space<vmem>>, vector<2x128xf32>,
    %slice3A = vector.extract_strided_slice %dot_general3A_15 {offsets = [0, 0], sizes = [32, 128], strides = [1, 1]} : vector<2048x128xf32> to vector<32x128xf32>
    %reduce_max3A = arith.constant dense<0xFF800000> : vector<128xf32>
    %reduce_max3A_29 = vector.multi_reduction <maximumf>, %slice3A, %reduce_max3A [0] : vector<32x128xf32> to vector<128xf32>
    %broadcast_in_dim3A_30 = vector.shape_cast %reduce_max3A_29 : vector<128xf32> to vector<1x128xf32>
    %reduce_min3A = arith.constant dense<0x7F800000> : vector<128xf32>
    %reduce_min3A_31 = vector.multi_reduction <minimumf>, %slice3A, %reduce_min3A [0] : vector<32x128xf32> to vector<128xf32>
    %broadcast_in_dim3A_32 = vector.shape_cast %reduce_min3A_31 : vector<128xf32> to vector<1x128xf32>
    %slice3A_33 = vector.extract_strided_slice %dot_general3A_15 {offsets = [32, 0], sizes = [32, 128], strides = [1, 1]} : vector<2048x128xf32> to vector<32x128xf32>
    %reduce_max3A_34 = arith.constant dense<0xFF800000> : vector<128xf32>
    %reduce_max3A_35 = vector.multi_reduction <maximumf>, %slice3A_33, %reduce_max3A_34 [0] : vector<32x128xf32> to vector<128xf32>
    %broadcast_in_dim3A_36 = vector.shape_cast %reduce_max3A_35 : vector<128xf32> to vector<1x128xf32>
    %reduce_min3A_37 = arith.constant dense<0x7F800000> : vector<128xf32>
    %reduce_min3A_38 = vector.multi_reduction <minimumf>, %slice3A_33, %reduce_min3A_37 [0] : vector<32x128xf32> to vector<128xf32>
    %broadcast_in_dim3A_39 = vector.shape_cast %reduce_min3A_38 : vector<128xf32> to vector<1x128xf32>
    %slice3A_40 = vector.extract_strided_slice %dot_general3A_15 {offsets = [64, 0], sizes = [32, 128], strides = [1, 1]} : vector<2048x128xf32> to vector<32x128xf32>
    %reduce_max3A_41 = arith.constant dense<0xFF800000> : vector<128xf32>
    %reduce_max3A_42 = vector.multi_reduction <maximumf>, %slice3A_40, %reduce_max3A_41 [0] : vector<32x128xf32> to vector<128xf32>
    %broadcast_in_dim3A_43 = vector.shape_cast %reduce_max3A_42 : vector<128xf32> to vector<1x128xf32>
    %reduce_min3A_44 = arith.constant dense<0x7F800000> : vector<128xf32>
    %reduce_min3A_45 = vector.multi_reduction <minimumf>, %slice3A_40, %reduce_min3A_44 [0] : vector<32x128xf32> to vector<128xf32>
    %broadcast_in_dim3A_46 = vector.shape_cast %reduce_min3A_45 : vector<128xf32> to vector<1x128xf32>
    %slice3A_47 = vector.extract_strided_slice %dot_general3A_15 {offsets = [96, 0], sizes = [32, 128], strides = [1, 1]} : vector<2048x128xf32> to vector<32x128xf32>
    %reduce_max3A_48 = arith.constant dense<0xFF800000> : vector<128xf32>
    %reduce_max3A_49 = vector.multi_reduction <maximumf>, %slice3A_47, %reduce_max3A_48 [0] : vector<32x128xf32> to vector<128xf32>
    %broadcast_in_dim3A_50 = vector.shape_cast %reduce_max3A_49 : vector<128xf32> to vector<1x128xf32>
    %reduce_min3A_51 = arith.constant dense<0x7F800000> : vector<128xf32>
    %reduce_min3A_52 = vector.multi_reduction <minimumf>, %slice3A_47, %reduce_min3A_51 [0] : vector<32x128xf32> to vector<128xf32>
    %broadcast_in_dim3A_53 = vector.shape_cast %reduce_min3A_52 : vector<128xf32> to vector<1x128xf32>
    %slice3A_54 = vector.extract_strided_slice %dot_general3A_15 {offsets = [128, 0], sizes = [32, 128], strides = [1, 1]} : vector<2048x128xf32> to vector<32x128xf32>
    %reduce_max3A_55 = arith.constant dense<0xFF800000> : vector<128xf32>
    %reduce_max3A_56 = vector.multi_reduction <maximumf>, %slice3A_54, %reduce_max3A_55 [0] : vector<32x128xf32> to vector<128xf32>
    %broadcast_in_dim3A_57 = vector.shape_cast %reduce_max3A_56 : vector<128xf32> to vector<1x128xf32>
    %reduce_min3A_58 = arith.constant dense<0x7F800000> : vector<128xf32>
    %reduce_min3A_59 = vector.multi_reduction <minimumf>, %slice3A_54, %reduce_min3A_58 [0] : vector<32x128xf32> to vector<128xf32>
    %broadcast_in_dim3A_60 = vector.shape_cast %reduce_min3A_59 : vector<128xf32> to vector<1x128xf32>
    %slice3A_61 = vector.extract_strided_slice %dot_general3A_15 {offsets = [160, 0], sizes = [32, 128], strides = [1, 1]} : vector<2048x128xf32> to vector<32x128xf32>
    %reduce_max3A_62 = arith.constant dense<0xFF800000> : vector<128xf32>
    %reduce_max3A_63 = vector.multi_reduction <maximumf>, %slice3A_61, %reduce_max3A_62 [0] : vector<32x128xf32> to vector<128xf32>
    %broadcast_in_dim3A_64 = vector.shape_cast %reduce_max3A_63 : vector<128xf32> to vector<1x128xf32>
    %reduce_min3A_65 = arith.constant dense<0x7F800000> : vector<128xf32>
    %reduce_min3A_66 = vector.multi_reduction <minimumf>, %slice3A_61, %reduce_min3A_65 [0] : vector<32x128xf32> to vector<128xf32>
    %broadcast_in_dim3A_67 = vector.shape_cast %reduce_min3A_66 : vector<128xf32> to vector<1x128xf32>
    %slice3A_68 = vector.extract_strided_slice %dot_general3A_15 {offsets = [192, 0], sizes = [32, 128], strides = [1, 1]} : vector<2048x128xf32> to vector<32x128xf32>
    %reduce_max3A_69 = arith.constant dense<0xFF800000> : vector<128xf32>
    %reduce_max3A_70 = vector.multi_reduction <maximumf>, %slice3A_68, %reduce_max3A_69 [0] : vector<32x128xf32> to vector<128xf32>
    %broadcast_in_dim3A_71 = vector.shape_cast %reduce_max3A_70 : vector<128xf32> to vector<1x128xf32>
    %reduce_min3A_72 = arith.constant dense<0x7F800000> : vector<128xf32>
    %reduce_min3A_73 = vector.multi_reduction <minimumf>, %slice3A_68, %reduce_min3A_72 [0] : vector<32x128xf32> to vector<128xf32>
    %broadcast_in_dim3A_74 = vector.shape_cast %reduce_min3A_73 : vector<128xf32> to vector<1x128xf32>
    %slice3A_75 = vector.extract_strided_slice %dot_general3A_15 {offsets = [224, 0], sizes = [32, 128], strides = [1, 1]} : vector<2048x128xf32> to vector<32x128xf32>
    %reduce_max3A_76 = arith.constant dense<0xFF800000> : vector<128xf32>
    %reduce_max3A_77 = vector.multi_reduction <maximumf>, %slice3A_75, %reduce_max3A_76 [0] : vector<32x128xf32> to vector<128xf32>
    %broadcast_in_dim3A_78 = vector.shape_cast %reduce_max3A_77 : vector<128xf32> to vector<1x128xf32>
    %reduce_min3A_79 = arith.constant dense<0x7F800000> : vector<128xf32>
    %reduce_min3A_80 = vector.multi_reduction <minimumf>, %slice3A_75, %reduce_min3A_79 [0] : vector<32x128xf32> to vector<128xf32>
    %broadcast_in_dim3A_81 = vector.shape_cast %reduce_min3A_80 : vector<128xf32> to vector<1x128xf32>
    %slice3A_82 = vector.extract_strided_slice %dot_general3A_15 {offsets = [256, 0], sizes = [32, 128], strides = [1, 1]} : vector<2048x128xf32> to vector<32x128xf32>
    %reduce_max3A_83 = arith.constant dense<0xFF800000> : vector<128xf32>
    %reduce_max3A_84 = vector.multi_reduction <maximumf>, %slice3A_82, %reduce_max3A_83 [0] : vector<32x128xf32> to vector<128xf32>
    %broadcast_in_dim3A_85 = vector.shape_cast %reduce_max3A_84 : vector<128xf32> to vector<1x128xf32>
    %reduce_min3A_86 = arith.constant dense<0x7F800000> : vector<128xf32>
    %reduce_min3A_87 = vector.multi_reduction <minimumf>, %slice3A_82, %reduce_min3A_86 [0] : vector<32x128xf32> to vector<128xf32>
    %broadcast_in_dim3A_88 = vector.shape_cast %reduce_min3A_87 : vector<128xf32> to vector<1x128xf32>
    %slice3A_89 = vector.extract_strided_slice %dot_general3A_15 {offsets = [288, 0], sizes = [32, 128], strides = [1, 1]} : vector<2048x128xf32> to vector<32x128xf32>
    %reduce_max3A_90 = arith.constant dense<0xFF800000> : vector<128xf32>
    %reduce_max3A_91 = vector.multi_reduction <maximumf>, %slice3A_89, %reduce_max3A_90 [0] : vector<32x128xf32> to vector<128xf32>
    %broadcast_in_dim3A_92 = vector.shape_cast %reduce_max3A_91 : vector<128xf32> to vector<1x128xf32>
    %reduce_min3A_93 = arith.constant dense<0x7F800000> : vector<128xf32>
    %reduce_min3A_94 = vector.multi_reduction <minimumf>, %slice3A_89, %reduce_min3A_93 [0] : vector<32x128xf32> to vector<128xf32>
    %broadcast_in_dim3A_95 = vector.shape_cast %reduce_min3A_94 : vector<128xf32> to vector<1x128xf32>
    %slice3A_96 = vector.extract_strided_slice %dot_general3A_15 {offsets = [320, 0], sizes = [32, 128], strides = [1, 1]} : vector<2048x128xf32> to vector<32x128xf32>
    %reduce_max3A_97 = arith.constant dense<0xFF800000> : vector<128xf32>
    %reduce_max3A_98 = vector.multi_reduction <maximumf>, %slice3A_96, %reduce_max3A_97 [0] : vector<32x128xf32> to vector<128xf32>
    %broadcast_in_dim3A_99 = vector.shape_cast %reduce_max3A_98 : vector<128xf32> to vector<1x128xf32>
    %reduce_min3A_100 = arith.constant dense<0x7F800000> : vector<128xf32>
    %reduce_min3A_101 = vector.multi_reduction <minimumf>, %slice3A_96, %reduce_min3A_100 [0] : vector<32x128xf32> to vector<128xf32>
    %broadcast_in_dim3A_102 = vector.shape_cast %reduce_min3A_101 : vector<128xf32> to vector<1x128xf32>
    %slice3A_103 = vector.extract_strided_slice %dot_general3A_15 {offsets = [352, 0], sizes = [32, 128], strides = [1, 1]} : vector<2048x128xf32> to vector<32x128xf32>
    %reduce_max3A_104 = arith.constant dense<0xFF800000> : vector<128xf32>
    %reduce_max3A_105 = vector.multi_reduction <maximumf>, %slice3A_103, %reduce_max3A_104 [0] : vector<32x128xf32> to vector<128xf32>
    %broadcast_in_dim3A_106 = vector.shape_cast %reduce_max3A_105 : vector<128xf32> to vector<1x128xf32>
    %reduce_min3A_107 = arith.constant dense<0x7F800000> : vector<128xf32>
    %reduce_min3A_108 = vector.multi_reduction <minimumf>, %slice3A_103, %reduce_min3A_107 [0] : vector<32x128xf32> to vector<128xf32>
    %broadcast_in_dim3A_109 = vector.shape_cast %reduce_min3A_108 : vector<128xf32> to vector<1x128xf32>
    %slice3A_110 = vector.extract_strided_slice %dot_general3A_15 {offsets = [384, 0], sizes = [32, 128], strides = [1, 1]} : vector<2048x128xf32> to vector<32x128xf32>
    %reduce_max3A_111 = arith.constant dense<0xFF800000> : vector<128xf32>
    %reduce_max3A_112 = vector.multi_reduction <maximumf>, %slice3A_110, %reduce_max3A_111 [0] : vector<32x128xf32> to vector<128xf32>
    %broadcast_in_dim3A_113 = vector.shape_cast %reduce_max3A_112 : vector<128xf32> to vector<1x128xf32>
    %reduce_min3A_114 = arith.constant dense<0x7F800000> : vector<128xf32>
    %reduce_min3A_115 = vector.multi_reduction <minimumf>, %slice3A_110, %reduce_min3A_114 [0] : vector<32x128xf32> to vector<128xf32>
    %broadcast_in_dim3A_116 = vector.shape_cast %reduce_min3A_115 : vector<128xf32> to vector<1x128xf32>
    %slice3A_117 = vector.extract_strided_slice %dot_general3A_15 {offsets = [416, 0], sizes = [32, 128], strides = [1, 1]} : vector<2048x128xf32> to vector<32x128xf32>
    %reduce_max3A_118 = arith.constant dense<0xFF800000> : vector<128xf32>
    %reduce_max3A_119 = vector.multi_reduction <maximumf>, %slice3A_117, %reduce_max3A_118 [0] : vector<32x128xf32> to vector<128xf32>
    %broadcast_in_dim3A_120 = vector.shape_cast %reduce_max3A_119 : vector<128xf32> to vector<1x128xf32>
    %reduce_min3A_121 = arith.constant dense<0x7F800000> : vector<128xf32>
    %reduce_min3A_122 = vector.multi_reduction <minimumf>, %slice3A_117, %reduce_min3A_121 [0] : vector<32x128xf32> to vector<128xf32>
    %broadcast_in_dim3A_123 = vector.shape_cast %reduce_min3A_122 : vector<128xf32> to vector<1x128xf32>
    %slice3A_124 = vector.extract_strided_slice %dot_general3A_15 {offsets = [448, 0], sizes = [32, 128], strides = [1, 1]} : vector<2048x128xf32> to vector<32x128xf32>
    %reduce_max3A_125 = arith.constant dense<0xFF800000> : vector<128xf32>
    %reduce_max3A_126 = vector.multi_reduction <maximumf>, %slice3A_124, %reduce_max3A_125 [0] : vector<32x128xf32> to vector<128xf32>
    %broadcast_in_dim3A_127 = vector.shape_cast %reduce_max3A_126 : vector<128xf32> to vector<1x128xf32>
    %reduce_min3A_128 = arith.constant dense<0x7F800000> : vector<128xf32>
    %reduce_min3A_129 = vector.multi_reduction <minimumf>, %slice3A_124, %reduce_min3A_128 [0] : vector<32x128xf32> to vector<128xf32>
    %broadcast_in_dim3A_130 = vector.shape_cast %reduce_min3A_129 : vector<128xf32> to vector<1x128xf32>
    %slice3A_131 = vector.extract_strided_slice %dot_general3A_15 {offsets = [480, 0], sizes = [32, 128], strides = [1, 1]} : vector<2048x128xf32> to vector<32x128xf32>
    %reduce_max3A_132 = arith.constant dense<0xFF800000> : vector<128xf32>
    %reduce_max3A_133 = vector.multi_reduction <maximumf>, %slice3A_131, %reduce_max3A_132 [0] : vector<32x128xf32> to vector<128xf32>
    %broadcast_in_dim3A_134 = vector.shape_cast %reduce_max3A_133 : vector<128xf32> to vector<1x128xf32>
    %reduce_min3A_135 = arith.constant dense<0x7F800000> : vector<128xf32>
    %reduce_min3A_136 = vector.multi_reduction <minimumf>, %slice3A_131, %reduce_min3A_135 [0] : vector<32x128xf32> to vector<128xf32>
    %broadcast_in_dim3A_137 = vector.shape_cast %reduce_min3A_136 : vector<128xf32> to vector<1x128xf32>
    %slice3A_138 = vector.extract_strided_slice %dot_general3A_15 {offsets = [512, 0], sizes = [32, 128], strides = [1, 1]} : vector<2048x128xf32> to vector<32x128xf32>
    %reduce_max3A_139 = arith.constant dense<0xFF800000> : vector<128xf32>
    %reduce_max3A_140 = vector.multi_reduction <maximumf>, %slice3A_138, %reduce_max3A_139 [0] : vector<32x128xf32> to vector<128xf32>
    %broadcast_in_dim3A_141 = vector.shape_cast %reduce_max3A_140 : vector<128xf32> to vector<1x128xf32>
    %reduce_min3A_142 = arith.constant dense<0x7F800000> : vector<128xf32>
    %reduce_min3A_143 = vector.multi_reduction <minimumf>, %slice3A_138, %reduce_min3A_142 [0] : vector<32x128xf32> to vector<128xf32>
    %broadcast_in_dim3A_144 = vector.shape_cast %reduce_min3A_143 : vector<128xf32> to vector<1x128xf32>
    %slice3A_145 = vector.extract_strided_slice %dot_general3A_15 {offsets = [544, 0], sizes = [32, 128], strides = [1, 1]} : vector<2048x128xf32> to vector<32x128xf32>
    %reduce_max3A_146 = arith.constant dense<0xFF800000> : vector<128xf32>
    %reduce_max3A_147 = vector.multi_reduction <maximumf>, %slice3A_145, %reduce_max3A_146 [0] : vector<32x128xf32> to vector<128xf32>
    %broadcast_in_dim3A_148 = vector.shape_cast %reduce_max3A_147 : vector<128xf32> to vector<1x128xf32>
    %reduce_min3A_149 = arith.constant dense<0x7F800000> : vector<128xf32>
    %reduce_min3A_150 = vector.multi_reduction <minimumf>, %slice3A_145, %reduce_min3A_149 [0] : vector<32x128xf32> to vector<128xf32>
    %broadcast_in_dim3A_151 = vector.shape_cast %reduce_min3A_150 : vector<128xf32> to vector<1x128xf32>
    %slice3A_152 = vector.extract_strided_slice %dot_general3A_15 {offsets = [576, 0], sizes = [32, 128], strides = [1, 1]} : vector<2048x128xf32> to vector<32x128xf32>
    %reduce_max3A_153 = arith.constant dense<0xFF800000> : vector<128xf32>
    %reduce_max3A_154 = vector.multi_reduction <maximumf>, %slice3A_152, %reduce_max3A_153 [0] : vector<32x128xf32> to vector<128xf32>
    %broadcast_in_dim3A_155 = vector.shape_cast %reduce_max3A_154 : vector<128xf32> to vector<1x128xf32>
    %reduce_min3A_156 = arith.constant dense<0x7F800000> : vector<128xf32>
    %reduce_min3A_157 = vector.multi_reduction <minimumf>, %slice3A_152, %reduce_min3A_156 [0] : vector<32x128xf32> to vector<128xf32>
    %broadcast_in_dim3A_158 = vector.shape_cast %reduce_min3A_157 : vector<128xf32> to vector<1x128xf32>
    %slice3A_159 = vector.extract_strided_slice %dot_general3A_15 {offsets = [608, 0], sizes = [32, 128], strides = [1, 1]} : vector<2048x128xf32> to vector<32x128xf32>
    %reduce_max3A_160 = arith.constant dense<0xFF800000> : vector<128xf32>
    %reduce_max3A_161 = vector.multi_reduction <maximumf>, %slice3A_159, %reduce_max3A_160 [0] : vector<32x128xf32> to vector<128xf32>
    %broadcast_in_dim3A_162 = vector.shape_cast %reduce_max3A_161 : vector<128xf32> to vector<1x128xf32>
    %reduce_min3A_163 = arith.constant dense<0x7F800000> : vector<128xf32>
    %reduce_min3A_164 = vector.multi_reduction <minimumf>, %slice3A_159, %reduce_min3A_163 [0] : vector<32x128xf32> to vector<128xf32>
    %broadcast_in_dim3A_165 = vector.shape_cast %reduce_min3A_164 : vector<128xf32> to vector<1x128xf32>
    %slice3A_166 = vector.extract_strided_slice %dot_general3A_15 {offsets = [640, 0], sizes = [32, 128], strides = [1, 1]} : vector<2048x128xf32> to vector<32x128xf32>
    %reduce_max3A_167 = arith.constant dense<0xFF800000> : vector<128xf32>
    %reduce_max3A_168 = vector.multi_reduction <maximumf>, %slice3A_166, %reduce_max3A_167 [0] : vector<32x128xf32> to vector<128xf32>
    %broadcast_in_dim3A_169 = vector.shape_cast %reduce_max3A_168 : vector<128xf32> to vector<1x128xf32>
    %reduce_min3A_170 = arith.constant dense<0x7F800000> : vector<128xf32>
    %reduce_min3A_171 = vector.multi_reduction <minimumf>, %slice3A_166, %reduce_min3A_170 [0] : vector<32x128xf32> to vector<128xf32>
    %broadcast_in_dim3A_172 = vector.shape_cast %reduce_min3A_171 : vector<128xf32> to vector<1x128xf32>
    %slice3A_173 = vector.extract_strided_slice %dot_general3A_15 {offsets = [672, 0], sizes = [32, 128], strides = [1, 1]} : vector<2048x128xf32> to vector<32x128xf32>
    %reduce_max3A_174 = arith.constant dense<0xFF800000> : vector<128xf32>
    %reduce_max3A_175 = vector.multi_reduction <maximumf>, %slice3A_173, %reduce_max3A_174 [0] : vector<32x128xf32> to vector<128xf32>
    %broadcast_in_dim3A_176 = vector.shape_cast %reduce_max3A_175 : vector<128xf32> to vector<1x128xf32>
    %reduce_min3A_177 = arith.constant dense<0x7F800000> : vector<128xf32>
    %reduce_min3A_178 = vector.multi_reduction <minimumf>, %slice3A_173, %reduce_min3A_177 [0] : vector<32x128xf32> to vector<128xf32>
    %broadcast_in_dim3A_179 = vector.shape_cast %reduce_min3A_178 : vector<128xf32> to vector<1x128xf32>
    %slice3A_180 = vector.extract_strided_slice %dot_general3A_15 {offsets = [704, 0], sizes = [32, 128], strides = [1, 1]} : vector<2048x128xf32> to vector<32x128xf32>
    %reduce_max3A_181 = arith.constant dense<0xFF800000> : vector<128xf32>
    %reduce_max3A_182 = vector.multi_reduction <maximumf>, %slice3A_180, %reduce_max3A_181 [0] : vector<32x128xf32> to vector<128xf32>
    %broadcast_in_dim3A_183 = vector.shape_cast %reduce_max3A_182 : vector<128xf32> to vector<1x128xf32>
    %reduce_min3A_184 = arith.constant dense<0x7F800000> : vector<128xf32>
    %reduce_min3A_185 = vector.multi_reduction <minimumf>, %slice3A_180, %reduce_min3A_184 [0] : vector<32x128xf32> to vector<128xf32>
    %broadcast_in_dim3A_186 = vector.shape_cast %reduce_min3A_185 : vector<128xf32> to vector<1x128xf32>
    %slice3A_187 = vector.extract_strided_slice %dot_general3A_15 {offsets = [736, 0], sizes = [32, 128], strides = [1, 1]} : vector<2048x128xf32> to vector<32x128xf32>
    %reduce_max3A_188 = arith.constant dense<0xFF800000> : vector<128xf32>
    %reduce_max3A_189 = vector.multi_reduction <maximumf>, %slice3A_187, %reduce_max3A_188 [0] : vector<32x128xf32> to vector<128xf32>
    %broadcast_in_dim3A_190 = vector.shape_cast %reduce_max3A_189 : vector<128xf32> to vector<1x128xf32>
    %reduce_min3A_191 = arith.constant dense<0x7F800000> : vector<128xf32>
    %reduce_min3A_192 = vector.multi_reduction <minimumf>, %slice3A_187, %reduce_min3A_191 [0] : vector<32x128xf32> to vector<128xf32>
    %broadcast_in_dim3A_193 = vector.shape_cast %reduce_min3A_192 : vector<128xf32> to vector<1x128xf32>
    %slice3A_194 = vector.extract_strided_slice %dot_general3A_15 {offsets = [768, 0], sizes = [32, 128], strides = [1, 1]} : vector<2048x128xf32> to vector<32x128xf32>
    %reduce_max3A_195 = arith.constant dense<0xFF800000> : vector<128xf32>
    %reduce_max3A_196 = vector.multi_reduction <maximumf>, %slice3A_194, %reduce_max3A_195 [0] : vector<32x128xf32> to vector<128xf32>
    %broadcast_in_dim3A_197 = vector.shape_cast %reduce_max3A_196 : vector<128xf32> to vector<1x128xf32>
    %reduce_min3A_198 = arith.constant dense<0x7F800000> : vector<128xf32>
    %reduce_min3A_199 = vector.multi_reduction <minimumf>, %slice3A_194, %reduce_min3A_198 [0] : vector<32x128xf32> to vector<128xf32>
    %broadcast_in_dim3A_200 = vector.shape_cast %reduce_min3A_199 : vector<128xf32> to vector<1x128xf32>
    %slice3A_201 = vector.extract_strided_slice %dot_general3A_15 {offsets = [800, 0], sizes = [32, 128], strides = [1, 1]} : vector<2048x128xf32> to vector<32x128xf32>
    %reduce_max3A_202 = arith.constant dense<0xFF800000> : vector<128xf32>
    %reduce_max3A_203 = vector.multi_reduction <maximumf>, %slice3A_201, %reduce_max3A_202 [0] : vector<32x128xf32> to vector<128xf32>
    %broadcast_in_dim3A_204 = vector.shape_cast %reduce_max3A_203 : vector<128xf32> to vector<1x128xf32>
    %reduce_min3A_205 = arith.constant dense<0x7F800000> : vector<128xf32>
    %reduce_min3A_206 = vector.multi_reduction <minimumf>, %slice3A_201, %reduce_min3A_205 [0] : vector<32x128xf32> to vector<128xf32>
    %broadcast_in_dim3A_207 = vector.shape_cast %reduce_min3A_206 : vector<128xf32> to vector<1x128xf32>
    %slice3A_208 = vector.extract_strided_slice %dot_general3A_15 {offsets = [832, 0], sizes = [32, 128], strides = [1, 1]} : vector<2048x128xf32> to vector<32x128xf32>
    %reduce_max3A_209 = arith.constant dense<0xFF800000> : vector<128xf32>
    %reduce_max3A_210 = vector.multi_reduction <maximumf>, %slice3A_208, %reduce_max3A_209 [0] : vector<32x128xf32> to vector<128xf32>
    %broadcast_in_dim3A_211 = vector.shape_cast %reduce_max3A_210 : vector<128xf32> to vector<1x128xf32>
    %reduce_min3A_212 = arith.constant dense<0x7F800000> : vector<128xf32>
    %reduce_min3A_213 = vector.multi_reduction <minimumf>, %slice3A_208, %reduce_min3A_212 [0] : vector<32x128xf32> to vector<128xf32>
    %broadcast_in_dim3A_214 = vector.shape_cast %reduce_min3A_213 : vector<128xf32> to vector<1x128xf32>
    %slice3A_215 = vector.extract_strided_slice %dot_general3A_15 {offsets = [864, 0], sizes = [32, 128], strides = [1, 1]} : vector<2048x128xf32> to vector<32x128xf32>
    %reduce_max3A_216 = arith.constant dense<0xFF800000> : vector<128xf32>
    %reduce_max3A_217 = vector.multi_reduction <maximumf>, %slice3A_215, %reduce_max3A_216 [0] : vector<32x128xf32> to vector<128xf32>
    %broadcast_in_dim3A_218 = vector.shape_cast %reduce_max3A_217 : vector<128xf32> to vector<1x128xf32>
    %reduce_min3A_219 = arith.constant dense<0x7F800000> : vector<128xf32>
    %reduce_min3A_220 = vector.multi_reduction <minimumf>, %slice3A_215, %reduce_min3A_219 [0] : vector<32x128xf32> to vector<128xf32>
    %broadcast_in_dim3A_221 = vector.shape_cast %reduce_min3A_220 : vector<128xf32> to vector<1x128xf32>
    %slice3A_222 = vector.extract_strided_slice %dot_general3A_15 {offsets = [896, 0], sizes = [32, 128], strides = [1, 1]} : vector<2048x128xf32> to vector<32x128xf32>
    %reduce_max3A_223 = arith.constant dense<0xFF800000> : vector<128xf32>
    %reduce_max3A_224 = vector.multi_reduction <maximumf>, %slice3A_222, %reduce_max3A_223 [0] : vector<32x128xf32> to vector<128xf32>
    %broadcast_in_dim3A_225 = vector.shape_cast %reduce_max3A_224 : vector<128xf32> to vector<1x128xf32>
    %reduce_min3A_226 = arith.constant dense<0x7F800000> : vector<128xf32>
    %reduce_min3A_227 = vector.multi_reduction <minimumf>, %slice3A_222, %reduce_min3A_226 [0] : vector<32x128xf32> to vector<128xf32>
    %broadcast_in_dim3A_228 = vector.shape_cast %reduce_min3A_227 : vector<128xf32> to vector<1x128xf32>
    %slice3A_229 = vector.extract_strided_slice %dot_general3A_15 {offsets = [928, 0], sizes = [32, 128], strides = [1, 1]} : vector<2048x128xf32> to vector<32x128xf32>
    %reduce_max3A_230 = arith.constant dense<0xFF800000> : vector<128xf32>
    %reduce_max3A_231 = vector.multi_reduction <maximumf>, %slice3A_229, %reduce_max3A_230 [0] : vector<32x128xf32> to vector<128xf32>
    %broadcast_in_dim3A_232 = vector.shape_cast %reduce_max3A_231 : vector<128xf32> to vector<1x128xf32>
    %reduce_min3A_233 = arith.constant dense<0x7F800000> : vector<128xf32>
    %reduce_min3A_234 = vector.multi_reduction <minimumf>, %slice3A_229, %reduce_min3A_233 [0] : vector<32x128xf32> to vector<128xf32>
    %broadcast_in_dim3A_235 = vector.shape_cast %reduce_min3A_234 : vector<128xf32> to vector<1x128xf32>
    %slice3A_236 = vector.extract_strided_slice %dot_general3A_15 {offsets = [960, 0], sizes = [32, 128], strides = [1, 1]} : vector<2048x128xf32> to vector<32x128xf32>
    %reduce_max3A_237 = arith.constant dense<0xFF800000> : vector<128xf32>
    %reduce_max3A_238 = vector.multi_reduction <maximumf>, %slice3A_236, %reduce_max3A_237 [0] : vector<32x128xf32> to vector<128xf32>
    %broadcast_in_dim3A_239 = vector.shape_cast %reduce_max3A_238 : vector<128xf32> to vector<1x128xf32>
    %reduce_min3A_240 = arith.constant dense<0x7F800000> : vector<128xf32>
    %reduce_min3A_241 = vector.multi_reduction <minimumf>, %slice3A_236, %reduce_min3A_240 [0] : vector<32x128xf32> to vector<128xf32>
    %broadcast_in_dim3A_242 = vector.shape_cast %reduce_min3A_241 : vector<128xf32> to vector<1x128xf32>
    %slice3A_243 = vector.extract_strided_slice %dot_general3A_15 {offsets = [992, 0], sizes = [32, 128], strides = [1, 1]} : vector<2048x128xf32> to vector<32x128xf32>
    %reduce_max3A_244 = arith.constant dense<0xFF800000> : vector<128xf32>
    %reduce_max3A_245 = vector.multi_reduction <maximumf>, %slice3A_243, %reduce_max3A_244 [0] : vector<32x128xf32> to vector<128xf32>
    %broadcast_in_dim3A_246 = vector.shape_cast %reduce_max3A_245 : vector<128xf32> to vector<1x128xf32>
    %reduce_min3A_247 = arith.constant dense<0x7F800000> : vector<128xf32>
    %reduce_min3A_248 = vector.multi_reduction <minimumf>, %slice3A_243, %reduce_min3A_247 [0] : vector<32x128xf32> to vector<128xf32>
    %broadcast_in_dim3A_249 = vector.shape_cast %reduce_min3A_248 : vector<128xf32> to vector<1x128xf32>
    %slice3A_250 = vector.extract_strided_slice %dot_general3A_15 {offsets = [1024, 0], sizes = [32, 128], strides = [1, 1]} : vector<2048x128xf32> to vector<32x128xf32>
    %reduce_max3A_251 = arith.constant dense<0xFF800000> : vector<128xf32>
    %reduce_max3A_252 = vector.multi_reduction <maximumf>, %slice3A_250, %reduce_max3A_251 [0] : vector<32x128xf32> to vector<128xf32>
    %broadcast_in_dim3A_253 = vector.shape_cast %reduce_max3A_252 : vector<128xf32> to vector<1x128xf32>
    %reduce_min3A_254 = arith.constant dense<0x7F800000> : vector<128xf32>
    %reduce_min3A_255 = vector.multi_reduction <minimumf>, %slice3A_250, %reduce_min3A_254 [0] : vector<32x128xf32> to vector<128xf32>
    %broadcast_in_dim3A_256 = vector.shape_cast %reduce_min3A_255 : vector<128xf32> to vector<1x128xf32>
    %slice3A_257 = vector.extract_strided_slice %dot_general3A_15 {offsets = [1056, 0], sizes = [32, 128], strides = [1, 1]} : vector<2048x128xf32> to vector<32x128xf32>
    %reduce_max3A_258 = arith.constant dense<0xFF800000> : vector<128xf32>
    %reduce_max3A_259 = vector.multi_reduction <maximumf>, %slice3A_257, %reduce_max3A_258 [0] : vector<32x128xf32> to vector<128xf32>
    %broadcast_in_dim3A_260 = vector.shape_cast %reduce_max3A_259 : vector<128xf32> to vector<1x128xf32>
    %reduce_min3A_261 = arith.constant dense<0x7F800000> : vector<128xf32>
    %reduce_min3A_262 = vector.multi_reduction <minimumf>, %slice3A_257, %reduce_min3A_261 [0] : vector<32x128xf32> to vector<128xf32>
    %broadcast_in_dim3A_263 = vector.shape_cast %reduce_min3A_262 : vector<128xf32> to vector<1x128xf32>
    %slice3A_264 = vector.extract_strided_slice %dot_general3A_15 {offsets = [1088, 0], sizes = [32, 128], strides = [1, 1]} : vector<2048x128xf32> to vector<32x128xf32>
    %reduce_max3A_265 = arith.constant dense<0xFF800000> : vector<128xf32>
    %reduce_max3A_266 = vector.multi_reduction <maximumf>, %slice3A_264, %reduce_max3A_265 [0] : vector<32x128xf32> to vector<128xf32>
    %broadcast_in_dim3A_267 = vector.shape_cast %reduce_max3A_266 : vector<128xf32> to vector<1x128xf32>
    %reduce_min3A_268 = arith.constant dense<0x7F800000> : vector<128xf32>
    %reduce_min3A_269 = vector.multi_reduction <minimumf>, %slice3A_264, %reduce_min3A_268 [0] : vector<32x128xf32> to vector<128xf32>
    %broadcast_in_dim3A_270 = vector.shape_cast %reduce_min3A_269 : vector<128xf32> to vector<1x128xf32>
    %slice3A_271 = vector.extract_strided_slice %dot_general3A_15 {offsets = [1120, 0], sizes = [32, 128], strides = [1, 1]} : vector<2048x128xf32> to vector<32x128xf32>
    %reduce_max3A_272 = arith.constant dense<0xFF800000> : vector<128xf32>
    %reduce_max3A_273 = vector.multi_reduction <maximumf>, %slice3A_271, %reduce_max3A_272 [0] : vector<32x128xf32> to vector<128xf32>
    %broadcast_in_dim3A_274 = vector.shape_cast %reduce_max3A_273 : vector<128xf32> to vector<1x128xf32>
    %reduce_min3A_275 = arith.constant dense<0x7F800000> : vector<128xf32>
    %reduce_min3A_276 = vector.multi_reduction <minimumf>, %slice3A_271, %reduce_min3A_275 [0] : vector<32x128xf32> to vector<128xf32>
    %broadcast_in_dim3A_277 = vector.shape_cast %reduce_min3A_276 : vector<128xf32> to vector<1x128xf32>
    %slice3A_278 = vector.extract_strided_slice %dot_general3A_15 {offsets = [1152, 0], sizes = [32, 128], strides = [1, 1]} : vector<2048x128xf32> to vector<32x128xf32>
    %reduce_max3A_279 = arith.constant dense<0xFF800000> : vector<128xf32>
    %reduce_max3A_280 = vector.multi_reduction <maximumf>, %slice3A_278, %reduce_max3A_279 [0] : vector<32x128xf32> to vector<128xf32>
    %broadcast_in_dim3A_281 = vector.shape_cast %reduce_max3A_280 : vector<128xf32> to vector<1x128xf32>
    %reduce_min3A_282 = arith.constant dense<0x7F800000> : vector<128xf32>
    %reduce_min3A_283 = vector.multi_reduction <minimumf>, %slice3A_278, %reduce_min3A_282 [0] : vector<32x128xf32> to vector<128xf32>
    %broadcast_in_dim3A_284 = vector.shape_cast %reduce_min3A_283 : vector<128xf32> to vector<1x128xf32>
    %slice3A_285 = vector.extract_strided_slice %dot_general3A_15 {offsets = [1184, 0], sizes = [32, 128], strides = [1, 1]} : vector<2048x128xf32> to vector<32x128xf32>
    %reduce_max3A_286 = arith.constant dense<0xFF800000> : vector<128xf32>
    %reduce_max3A_287 = vector.multi_reduction <maximumf>, %slice3A_285, %reduce_max3A_286 [0] : vector<32x128xf32> to vector<128xf32>
    %broadcast_in_dim3A_288 = vector.shape_cast %reduce_max3A_287 : vector<128xf32> to vector<1x128xf32>
    %reduce_min3A_289 = arith.constant dense<0x7F800000> : vector<128xf32>
    %reduce_min3A_290 = vector.multi_reduction <minimumf>, %slice3A_285, %reduce_min3A_289 [0] : vector<32x128xf32> to vector<128xf32>
    %broadcast_in_dim3A_291 = vector.shape_cast %reduce_min3A_290 : vector<128xf32> to vector<1x128xf32>
    %slice3A_292 = vector.extract_strided_slice %dot_general3A_15 {offsets = [1216, 0], sizes = [32, 128], strides = [1, 1]} : vector<2048x128xf32> to vector<32x128xf32>
    %reduce_max3A_293 = arith.constant dense<0xFF800000> : vector<128xf32>
    %reduce_max3A_294 = vector.multi_reduction <maximumf>, %slice3A_292, %reduce_max3A_293 [0] : vector<32x128xf32> to vector<128xf32>
    %broadcast_in_dim3A_295 = vector.shape_cast %reduce_max3A_294 : vector<128xf32> to vector<1x128xf32>
    %reduce_min3A_296 = arith.constant dense<0x7F800000> : vector<128xf32>
    %reduce_min3A_297 = vector.multi_reduction <minimumf>, %slice3A_292, %reduce_min3A_296 [0] : vector<32x128xf32> to vector<128xf32>
    %broadcast_in_dim3A_298 = vector.shape_cast %reduce_min3A_297 : vector<128xf32> to vector<1x128xf32>
    %slice3A_299 = vector.extract_strided_slice %dot_general3A_15 {offsets = [1248, 0], sizes = [32, 128], strides = [1, 1]} : vector<2048x128xf32> to vector<32x128xf32>
    %reduce_max3A_300 = arith.constant dense<0xFF800000> : vector<128xf32>
    %reduce_max3A_301 = vector.multi_reduction <maximumf>, %slice3A_299, %reduce_max3A_300 [0] : vector<32x128xf32> to vector<128xf32>
    %broadcast_in_dim3A_302 = vector.shape_cast %reduce_max3A_301 : vector<128xf32> to vector<1x128xf32>
    %reduce_min3A_303 = arith.constant dense<0x7F800000> : vector<128xf32>
    %reduce_min3A_304 = vector.multi_reduction <minimumf>, %slice3A_299, %reduce_min3A_303 [0] : vector<32x128xf32> to vector<128xf32>
    %broadcast_in_dim3A_305 = vector.shape_cast %reduce_min3A_304 : vector<128xf32> to vector<1x128xf32>
    %slice3A_306 = vector.extract_strided_slice %dot_general3A_15 {offsets = [1280, 0], sizes = [32, 128], strides = [1, 1]} : vector<2048x128xf32> to vector<32x128xf32>
    %reduce_max3A_307 = arith.constant dense<0xFF800000> : vector<128xf32>
    %reduce_max3A_308 = vector.multi_reduction <maximumf>, %slice3A_306, %reduce_max3A_307 [0] : vector<32x128xf32> to vector<128xf32>
    %broadcast_in_dim3A_309 = vector.shape_cast %reduce_max3A_308 : vector<128xf32> to vector<1x128xf32>
    %reduce_min3A_310 = arith.constant dense<0x7F800000> : vector<128xf32>
    %reduce_min3A_311 = vector.multi_reduction <minimumf>, %slice3A_306, %reduce_min3A_310 [0] : vector<32x128xf32> to vector<128xf32>
    %broadcast_in_dim3A_312 = vector.shape_cast %reduce_min3A_311 : vector<128xf32> to vector<1x128xf32>
    %slice3A_313 = vector.extract_strided_slice %dot_general3A_15 {offsets = [1312, 0], sizes = [32, 128], strides = [1, 1]} : vector<2048x128xf32> to vector<32x128xf32>
    %reduce_max3A_314 = arith.constant dense<0xFF800000> : vector<128xf32>
    %reduce_max3A_315 = vector.multi_reduction <maximumf>, %slice3A_313, %reduce_max3A_314 [0] : vector<32x128xf32> to vector<128xf32>
    %broadcast_in_dim3A_316 = vector.shape_cast %reduce_max3A_315 : vector<128xf32> to vector<1x128xf32>
    %reduce_min3A_317 = arith.constant dense<0x7F800000> : vector<128xf32>
    %reduce_min3A_318 = vector.multi_reduction <minimumf>, %slice3A_313, %reduce_min3A_317 [0] : vector<32x128xf32> to vector<128xf32>
    %broadcast_in_dim3A_319 = vector.shape_cast %reduce_min3A_318 : vector<128xf32> to vector<1x128xf32>
    %slice3A_320 = vector.extract_strided_slice %dot_general3A_15 {offsets = [1344, 0], sizes = [32, 128], strides = [1, 1]} : vector<2048x128xf32> to vector<32x128xf32>
    %reduce_max3A_321 = arith.constant dense<0xFF800000> : vector<128xf32>
    %reduce_max3A_322 = vector.multi_reduction <maximumf>, %slice3A_320, %reduce_max3A_321 [0] : vector<32x128xf32> to vector<128xf32>
    %broadcast_in_dim3A_323 = vector.shape_cast %reduce_max3A_322 : vector<128xf32> to vector<1x128xf32>
    %reduce_min3A_324 = arith.constant dense<0x7F800000> : vector<128xf32>
    %reduce_min3A_325 = vector.multi_reduction <minimumf>, %slice3A_320, %reduce_min3A_324 [0] : vector<32x128xf32> to vector<128xf32>
    %broadcast_in_dim3A_326 = vector.shape_cast %reduce_min3A_325 : vector<128xf32> to vector<1x128xf32>
    %slice3A_327 = vector.extract_strided_slice %dot_general3A_15 {offsets = [1376, 0], sizes = [32, 128], strides = [1, 1]} : vector<2048x128xf32> to vector<32x128xf32>
    %reduce_max3A_328 = arith.constant dense<0xFF800000> : vector<128xf32>
    %reduce_max3A_329 = vector.multi_reduction <maximumf>, %slice3A_327, %reduce_max3A_328 [0] : vector<32x128xf32> to vector<128xf32>
    %broadcast_in_dim3A_330 = vector.shape_cast %reduce_max3A_329 : vector<128xf32> to vector<1x128xf32>
    %reduce_min3A_331 = arith.constant dense<0x7F800000> : vector<128xf32>
    %reduce_min3A_332 = vector.multi_reduction <minimumf>, %slice3A_327, %reduce_min3A_331 [0] : vector<32x128xf32> to vector<128xf32>
    %broadcast_in_dim3A_333 = vector.shape_cast %reduce_min3A_332 : vector<128xf32> to vector<1x128xf32>
    %slice3A_334 = vector.extract_strided_slice %dot_general3A_15 {offsets = [1408, 0], sizes = [32, 128], strides = [1, 1]} : vector<2048x128xf32> to vector<32x128xf32>
    %reduce_max3A_335 = arith.constant dense<0xFF800000> : vector<128xf32>
    %reduce_max3A_336 = vector.multi_reduction <maximumf>, %slice3A_334, %reduce_max3A_335 [0] : vector<32x128xf32> to vector<128xf32>
    %broadcast_in_dim3A_337 = vector.shape_cast %reduce_max3A_336 : vector<128xf32> to vector<1x128xf32>
    %reduce_min3A_338 = arith.constant dense<0x7F800000> : vector<128xf32>
    %reduce_min3A_339 = vector.multi_reduction <minimumf>, %slice3A_334, %reduce_min3A_338 [0] : vector<32x128xf32> to vector<128xf32>
    %broadcast_in_dim3A_340 = vector.shape_cast %reduce_min3A_339 : vector<128xf32> to vector<1x128xf32>
    %slice3A_341 = vector.extract_strided_slice %dot_general3A_15 {offsets = [1440, 0], sizes = [32, 128], strides = [1, 1]} : vector<2048x128xf32> to vector<32x128xf32>
    %reduce_max3A_342 = arith.constant dense<0xFF800000> : vector<128xf32>
    %reduce_max3A_343 = vector.multi_reduction <maximumf>, %slice3A_341, %reduce_max3A_342 [0] : vector<32x128xf32> to vector<128xf32>
    %broadcast_in_dim3A_344 = vector.shape_cast %reduce_max3A_343 : vector<128xf32> to vector<1x128xf32>
    %reduce_min3A_345 = arith.constant dense<0x7F800000> : vector<128xf32>
    %reduce_min3A_346 = vector.multi_reduction <minimumf>, %slice3A_341, %reduce_min3A_345 [0] : vector<32x128xf32> to vector<128xf32>
    %broadcast_in_dim3A_347 = vector.shape_cast %reduce_min3A_346 : vector<128xf32> to vector<1x128xf32>
    %slice3A_348 = vector.extract_strided_slice %dot_general3A_15 {offsets = [1472, 0], sizes = [32, 128], strides = [1, 1]} : vector<2048x128xf32> to vector<32x128xf32>
    %reduce_max3A_349 = arith.constant dense<0xFF800000> : vector<128xf32>
    %reduce_max3A_350 = vector.multi_reduction <maximumf>, %slice3A_348, %reduce_max3A_349 [0] : vector<32x128xf32> to vector<128xf32>
    %broadcast_in_dim3A_351 = vector.shape_cast %reduce_max3A_350 : vector<128xf32> to vector<1x128xf32>
    %reduce_min3A_352 = arith.constant dense<0x7F800000> : vector<128xf32>
    %reduce_min3A_353 = vector.multi_reduction <minimumf>, %slice3A_348, %reduce_min3A_352 [0] : vector<32x128xf32> to vector<128xf32>
    %broadcast_in_dim3A_354 = vector.shape_cast %reduce_min3A_353 : vector<128xf32> to vector<1x128xf32>
    %slice3A_355 = vector.extract_strided_slice %dot_general3A_15 {offsets = [1504, 0], sizes = [32, 128], strides = [1, 1]} : vector<2048x128xf32> to vector<32x128xf32>
    %reduce_max3A_356 = arith.constant dense<0xFF800000> : vector<128xf32>
    %reduce_max3A_357 = vector.multi_reduction <maximumf>, %slice3A_355, %reduce_max3A_356 [0] : vector<32x128xf32> to vector<128xf32>
    %broadcast_in_dim3A_358 = vector.shape_cast %reduce_max3A_357 : vector<128xf32> to vector<1x128xf32>
    %reduce_min3A_359 = arith.constant dense<0x7F800000> : vector<128xf32>
    %reduce_min3A_360 = vector.multi_reduction <minimumf>, %slice3A_355, %reduce_min3A_359 [0] : vector<32x128xf32> to vector<128xf32>
    %broadcast_in_dim3A_361 = vector.shape_cast %reduce_min3A_360 : vector<128xf32> to vector<1x128xf32>
    %slice3A_362 = vector.extract_strided_slice %dot_general3A_15 {offsets = [1536, 0], sizes = [32, 128], strides = [1, 1]} : vector<2048x128xf32> to vector<32x128xf32>
    %reduce_max3A_363 = arith.constant dense<0xFF800000> : vector<128xf32>
    %reduce_max3A_364 = vector.multi_reduction <maximumf>, %slice3A_362, %reduce_max3A_363 [0] : vector<32x128xf32> to vector<128xf32>
    %broadcast_in_dim3A_365 = vector.shape_cast %reduce_max3A_364 : vector<128xf32> to vector<1x128xf32>
    %reduce_min3A_366 = arith.constant dense<0x7F800000> : vector<128xf32>
    %reduce_min3A_367 = vector.multi_reduction <minimumf>, %slice3A_362, %reduce_min3A_366 [0] : vector<32x128xf32> to vector<128xf32>
    %broadcast_in_dim3A_368 = vector.shape_cast %reduce_min3A_367 : vector<128xf32> to vector<1x128xf32>
    %slice3A_369 = vector.extract_strided_slice %dot_general3A_15 {offsets = [1568, 0], sizes = [32, 128], strides = [1, 1]} : vector<2048x128xf32> to vector<32x128xf32>
    %reduce_max3A_370 = arith.constant dense<0xFF800000> : vector<128xf32>
    %reduce_max3A_371 = vector.multi_reduction <maximumf>, %slice3A_369, %reduce_max3A_370 [0] : vector<32x128xf32> to vector<128xf32>
    %broadcast_in_dim3A_372 = vector.shape_cast %reduce_max3A_371 : vector<128xf32> to vector<1x128xf32>
    %reduce_min3A_373 = arith.constant dense<0x7F800000> : vector<128xf32>
    %reduce_min3A_374 = vector.multi_reduction <minimumf>, %slice3A_369, %reduce_min3A_373 [0] : vector<32x128xf32> to vector<128xf32>
    %broadcast_in_dim3A_375 = vector.shape_cast %reduce_min3A_374 : vector<128xf32> to vector<1x128xf32>
    %slice3A_376 = vector.extract_strided_slice %dot_general3A_15 {offsets = [1600, 0], sizes = [32, 128], strides = [1, 1]} : vector<2048x128xf32> to vector<32x128xf32>
    %reduce_max3A_377 = arith.constant dense<0xFF800000> : vector<128xf32>
    %reduce_max3A_378 = vector.multi_reduction <maximumf>, %slice3A_376, %reduce_max3A_377 [0] : vector<32x128xf32> to vector<128xf32>
    %broadcast_in_dim3A_379 = vector.shape_cast %reduce_max3A_378 : vector<128xf32> to vector<1x128xf32>
    %reduce_min3A_380 = arith.constant dense<0x7F800000> : vector<128xf32>
    %reduce_min3A_381 = vector.multi_reduction <minimumf>, %slice3A_376, %reduce_min3A_380 [0] : vector<32x128xf32> to vector<128xf32>
    %broadcast_in_dim3A_382 = vector.shape_cast %reduce_min3A_381 : vector<128xf32> to vector<1x128xf32>
    %slice3A_383 = vector.extract_strided_slice %dot_general3A_15 {offsets = [1632, 0], sizes = [32, 128], strides = [1, 1]} : vector<2048x128xf32> to vector<32x128xf32>
    %reduce_max3A_384 = arith.constant dense<0xFF800000> : vector<128xf32>
    %reduce_max3A_385 = vector.multi_reduction <maximumf>, %slice3A_383, %reduce_max3A_384 [0] : vector<32x128xf32> to vector<128xf32>
    %broadcast_in_dim3A_386 = vector.shape_cast %reduce_max3A_385 : vector<128xf32> to vector<1x128xf32>
    %reduce_min3A_387 = arith.constant dense<0x7F800000> : vector<128xf32>
    %reduce_min3A_388 = vector.multi_reduction <minimumf>, %slice3A_383, %reduce_min3A_387 [0] : vector<32x128xf32> to vector<128xf32>
    %broadcast_in_dim3A_389 = vector.shape_cast %reduce_min3A_388 : vector<128xf32> to vector<1x128xf32>
    %slice3A_390 = vector.extract_strided_slice %dot_general3A_15 {offsets = [1664, 0], sizes = [32, 128], strides = [1, 1]} : vector<2048x128xf32> to vector<32x128xf32>
    %reduce_max3A_391 = arith.constant dense<0xFF800000> : vector<128xf32>
    %reduce_max3A_392 = vector.multi_reduction <maximumf>, %slice3A_390, %reduce_max3A_391 [0] : vector<32x128xf32> to vector<128xf32>
    %broadcast_in_dim3A_393 = vector.shape_cast %reduce_max3A_392 : vector<128xf32> to vector<1x128xf32>
    %reduce_min3A_394 = arith.constant dense<0x7F800000> : vector<128xf32>
    %reduce_min3A_395 = vector.multi_reduction <minimumf>, %slice3A_390, %reduce_min3A_394 [0] : vector<32x128xf32> to vector<128xf32>
    %broadcast_in_dim3A_396 = vector.shape_cast %reduce_min3A_395 : vector<128xf32> to vector<1x128xf32>
    %slice3A_397 = vector.extract_strided_slice %dot_general3A_15 {offsets = [1696, 0], sizes = [32, 128], strides = [1, 1]} : vector<2048x128xf32> to vector<32x128xf32>
    %reduce_max3A_398 = arith.constant dense<0xFF800000> : vector<128xf32>
    %reduce_max3A_399 = vector.multi_reduction <maximumf>, %slice3A_397, %reduce_max3A_398 [0] : vector<32x128xf32> to vector<128xf32>
    %broadcast_in_dim3A_400 = vector.shape_cast %reduce_max3A_399 : vector<128xf32> to vector<1x128xf32>
    %reduce_min3A_401 = arith.constant dense<0x7F800000> : vector<128xf32>
    %reduce_min3A_402 = vector.multi_reduction <minimumf>, %slice3A_397, %reduce_min3A_401 [0] : vector<32x128xf32> to vector<128xf32>
    %broadcast_in_dim3A_403 = vector.shape_cast %reduce_min3A_402 : vector<128xf32> to vector<1x128xf32>
    %slice3A_404 = vector.extract_strided_slice %dot_general3A_15 {offsets = [1728, 0], sizes = [32, 128], strides = [1, 1]} : vector<2048x128xf32> to vector<32x128xf32>
    %reduce_max3A_405 = arith.constant dense<0xFF800000> : vector<128xf32>
    %reduce_max3A_406 = vector.multi_reduction <maximumf>, %slice3A_404, %reduce_max3A_405 [0] : vector<32x128xf32> to vector<128xf32>
    %broadcast_in_dim3A_407 = vector.shape_cast %reduce_max3A_406 : vector<128xf32> to vector<1x128xf32>
    %reduce_min3A_408 = arith.constant dense<0x7F800000> : vector<128xf32>
    %reduce_min3A_409 = vector.multi_reduction <minimumf>, %slice3A_404, %reduce_min3A_408 [0] : vector<32x128xf32> to vector<128xf32>
    %broadcast_in_dim3A_410 = vector.shape_cast %reduce_min3A_409 : vector<128xf32> to vector<1x128xf32>
    %slice3A_411 = vector.extract_strided_slice %dot_general3A_15 {offsets = [1760, 0], sizes = [32, 128], strides = [1, 1]} : vector<2048x128xf32> to vector<32x128xf32>
    %reduce_max3A_412 = arith.constant dense<0xFF800000> : vector<128xf32>
    %reduce_max3A_413 = vector.multi_reduction <maximumf>, %slice3A_411, %reduce_max3A_412 [0] : vector<32x128xf32> to vector<128xf32>
    %broadcast_in_dim3A_414 = vector.shape_cast %reduce_max3A_413 : vector<128xf32> to vector<1x128xf32>
    %reduce_min3A_415 = arith.constant dense<0x7F800000> : vector<128xf32>
    %reduce_min3A_416 = vector.multi_reduction <minimumf>, %slice3A_411, %reduce_min3A_415 [0] : vector<32x128xf32> to vector<128xf32>
    %broadcast_in_dim3A_417 = vector.shape_cast %reduce_min3A_416 : vector<128xf32> to vector<1x128xf32>
    %slice3A_418 = vector.extract_strided_slice %dot_general3A_15 {offsets = [1792, 0], sizes = [32, 128], strides = [1, 1]} : vector<2048x128xf32> to vector<32x128xf32>
    %reduce_max3A_419 = arith.constant dense<0xFF800000> : vector<128xf32>
    %reduce_max3A_420 = vector.multi_reduction <maximumf>, %slice3A_418, %reduce_max3A_419 [0] : vector<32x128xf32> to vector<128xf32>
    %broadcast_in_dim3A_421 = vector.shape_cast %reduce_max3A_420 : vector<128xf32> to vector<1x128xf32>
    %reduce_min3A_422 = arith.constant dense<0x7F800000> : vector<128xf32>
    %reduce_min3A_423 = vector.multi_reduction <minimumf>, %slice3A_418, %reduce_min3A_422 [0] : vector<32x128xf32> to vector<128xf32>
    %broadcast_in_dim3A_424 = vector.shape_cast %reduce_min3A_423 : vector<128xf32> to vector<1x128xf32>
    %slice3A_425 = vector.extract_strided_slice %dot_general3A_15 {offsets = [1824, 0], sizes = [32, 128], strides = [1, 1]} : vector<2048x128xf32> to vector<32x128xf32>
    %reduce_max3A_426 = arith.constant dense<0xFF800000> : vector<128xf32>
    %reduce_max3A_427 = vector.multi_reduction <maximumf>, %slice3A_425, %reduce_max3A_426 [0] : vector<32x128xf32> to vector<128xf32>
    %broadcast_in_dim3A_428 = vector.shape_cast %reduce_max3A_427 : vector<128xf32> to vector<1x128xf32>
    %reduce_min3A_429 = arith.constant dense<0x7F800000> : vector<128xf32>
    %reduce_min3A_430 = vector.multi_reduction <minimumf>, %slice3A_425, %reduce_min3A_429 [0] : vector<32x128xf32> to vector<128xf32>
    %broadcast_in_dim3A_431 = vector.shape_cast %reduce_min3A_430 : vector<128xf32> to vector<1x128xf32>
    %slice3A_432 = vector.extract_strided_slice %dot_general3A_15 {offsets = [1856, 0], sizes = [32, 128], strides = [1, 1]} : vector<2048x128xf32> to vector<32x128xf32>
    %reduce_max3A_433 = arith.constant dense<0xFF800000> : vector<128xf32>
    %reduce_max3A_434 = vector.multi_reduction <maximumf>, %slice3A_432, %reduce_max3A_433 [0] : vector<32x128xf32> to vector<128xf32>
    %broadcast_in_dim3A_435 = vector.shape_cast %reduce_max3A_434 : vector<128xf32> to vector<1x128xf32>
    %reduce_min3A_436 = arith.constant dense<0x7F800000> : vector<128xf32>
    %reduce_min3A_437 = vector.multi_reduction <minimumf>, %slice3A_432, %reduce_min3A_436 [0] : vector<32x128xf32> to vector<128xf32>
    %broadcast_in_dim3A_438 = vector.shape_cast %reduce_min3A_437 : vector<128xf32> to vector<1x128xf32>
    %slice3A_439 = vector.extract_strided_slice %dot_general3A_15 {offsets = [1888, 0], sizes = [32, 128], strides = [1, 1]} : vector<2048x128xf32> to vector<32x128xf32>
    %reduce_max3A_440 = arith.constant dense<0xFF800000> : vector<128xf32>
    %reduce_max3A_441 = vector.multi_reduction <maximumf>, %slice3A_439, %reduce_max3A_440 [0] : vector<32x128xf32> to vector<128xf32>
    %broadcast_in_dim3A_442 = vector.shape_cast %reduce_max3A_441 : vector<128xf32> to vector<1x128xf32>
    %reduce_min3A_443 = arith.constant dense<0x7F800000> : vector<128xf32>
    %reduce_min3A_444 = vector.multi_reduction <minimumf>, %slice3A_439, %reduce_min3A_443 [0] : vector<32x128xf32> to vector<128xf32>
    %broadcast_in_dim3A_445 = vector.shape_cast %reduce_min3A_444 : vector<128xf32> to vector<1x128xf32>
    %slice3A_446 = vector.extract_strided_slice %dot_general3A_15 {offsets = [1920, 0], sizes = [32, 128], strides = [1, 1]} : vector<2048x128xf32> to vector<32x128xf32>
    %reduce_max3A_447 = arith.constant dense<0xFF800000> : vector<128xf32>
    %reduce_max3A_448 = vector.multi_reduction <maximumf>, %slice3A_446, %reduce_max3A_447 [0] : vector<32x128xf32> to vector<128xf32>
    %broadcast_in_dim3A_449 = vector.shape_cast %reduce_max3A_448 : vector<128xf32> to vector<1x128xf32>
    %reduce_min3A_450 = arith.constant dense<0x7F800000> : vector<128xf32>
    %reduce_min3A_451 = vector.multi_reduction <minimumf>, %slice3A_446, %reduce_min3A_450 [0] : vector<32x128xf32> to vector<128xf32>
    %broadcast_in_dim3A_452 = vector.shape_cast %reduce_min3A_451 : vector<128xf32> to vector<1x128xf32>
    %slice3A_453 = vector.extract_strided_slice %dot_general3A_15 {offsets = [1952, 0], sizes = [32, 128], strides = [1, 1]} : vector<2048x128xf32> to vector<32x128xf32>
    %reduce_max3A_454 = arith.constant dense<0xFF800000> : vector<128xf32>
    %reduce_max3A_455 = vector.multi_reduction <maximumf>, %slice3A_453, %reduce_max3A_454 [0] : vector<32x128xf32> to vector<128xf32>
    %broadcast_in_dim3A_456 = vector.shape_cast %reduce_max3A_455 : vector<128xf32> to vector<1x128xf32>
    %reduce_min3A_457 = arith.constant dense<0x7F800000> : vector<128xf32>
    %reduce_min3A_458 = vector.multi_reduction <minimumf>, %slice3A_453, %reduce_min3A_457 [0] : vector<32x128xf32> to vector<128xf32>
    %broadcast_in_dim3A_459 = vector.shape_cast %reduce_min3A_458 : vector<128xf32> to vector<1x128xf32>
    %slice3A_460 = vector.extract_strided_slice %dot_general3A_15 {offsets = [1984, 0], sizes = [32, 128], strides = [1, 1]} : vector<2048x128xf32> to vector<32x128xf32>
    %reduce_max3A_461 = arith.constant dense<0xFF800000> : vector<128xf32>
    %reduce_max3A_462 = vector.multi_reduction <maximumf>, %slice3A_460, %reduce_max3A_461 [0] : vector<32x128xf32> to vector<128xf32>
    %broadcast_in_dim3A_463 = vector.shape_cast %reduce_max3A_462 : vector<128xf32> to vector<1x128xf32>
    %reduce_min3A_464 = arith.constant dense<0x7F800000> : vector<128xf32>
    %reduce_min3A_465 = vector.multi_reduction <minimumf>, %slice3A_460, %reduce_min3A_464 [0] : vector<32x128xf32> to vector<128xf32>
    %broadcast_in_dim3A_466 = vector.shape_cast %reduce_min3A_465 : vector<128xf32> to vector<1x128xf32>
    %slice3A_467 = vector.extract_strided_slice %dot_general3A_15 {offsets = [2016, 0], sizes = [32, 128], strides = [1, 1]} : vector<2048x128xf32> to vector<32x128xf32>
    %reduce_max3A_468 = arith.constant dense<0xFF800000> : vector<128xf32>
    %reduce_max3A_469 = vector.multi_reduction <maximumf>, %slice3A_467, %reduce_max3A_468 [0] : vector<32x128xf32> to vector<128xf32>
    %broadcast_in_dim3A_470 = vector.shape_cast %reduce_max3A_469 : vector<128xf32> to vector<1x128xf32>
    %reduce_min3A_471 = arith.constant dense<0x7F800000> : vector<128xf32>
    %reduce_min3A_472 = vector.multi_reduction <minimumf>, %slice3A_467, %reduce_min3A_471 [0] : vector<32x128xf32> to vector<128xf32>
    %broadcast_in_dim3A_473 = vector.shape_cast %reduce_min3A_472 : vector<128xf32> to vector<1x128xf32>
    %concatenate3A_474 = tpu.concatenate %broadcast_in_dim3A_30, %broadcast_in_dim3A_36, %broadcast_in_dim3A_43, %broadcast_in_dim3A_50, %broadcast_in_dim3A_57, %broadcast_in_dim3A_64, %broadcast_in_dim3A_71, %broadcast_in_dim3A_78, %broadcast_in_dim3A_85, %broadcast_in_dim3A_92, %broadcast_in_dim3A_99, %broadcast_in_dim3A_106, %broadcast_in_dim3A_113, %broadcast_in_dim3A_120, %broadcast_in_dim3A_127, %broadcast_in_dim3A_134, %broadcast_in_dim3A_141, %broadcast_in_dim3A_148, %broadcast_in_dim3A_155, %broadcast_in_dim3A_162, %broadcast_in_dim3A_169, %broadcast_in_dim3A_176, %broadcast_in_dim3A_183, %broadcast_in_dim3A_190, %broadcast_in_dim3A_197, %broadcast_in_dim3A_204, %broadcast_in_dim3A_211, %broadcast_in_dim3A_218, %broadcast_in_dim3A_225, %broadcast_in_dim3A_232, %broadcast_in_dim3A_239, %broadcast_in_dim3A_246, %broadcast_in_dim3A_253, %broadcast_in_dim3A_260, %broadcast_in_dim3A_267, %broadcast_in_dim3A_274, %broadcast_in_dim3A_281, %broadcast_in_dim3A_288, %broadcast_in_dim3A_295, %broadcast_in_dim3A_302, %broadcast_in_dim3A_309, %broadcast_in_dim3A_316, %broadcast_in_dim3A_323, %broadcast_in_dim3A_330, %broadcast_in_dim3A_337, %broadcast_in_dim3A_344, %broadcast_in_dim3A_351, %broadcast_in_dim3A_358, %broadcast_in_dim3A_365, %broadcast_in_dim3A_372, %broadcast_in_dim3A_379, %broadcast_in_dim3A_386, %broadcast_in_dim3A_393, %broadcast_in_dim3A_400, %broadcast_in_dim3A_407, %broadcast_in_dim3A_414, %broadcast_in_dim3A_421, %broadcast_in_dim3A_428, %broadcast_in_dim3A_435, %broadcast_in_dim3A_442, %broadcast_in_dim3A_449, %broadcast_in_dim3A_456, %broadcast_in_dim3A_463, %broadcast_in_dim3A_470 in 0 : vector<1x128xf32>, vector<1x128xf32>, vector<1x128xf32>, vector<1x128xf32>, vector<1x128xf32>, vector<1x128xf32>, vector<1x128xf32>, vector<1x128xf32>, vector<1x128xf32>, vector<1x128xf32>, vector<1x128xf32>, vector<1x128xf32>, vector<1x128xf32>, vector<1x128xf32>, vector<1x128xf32>, vector<1x128xf32>, vector<1x128xf32>, vector<1x128xf32>, vector<1x128xf32>, vector<1x128xf32>, vector<1x128xf32>, vector<1x128xf32>, vector<1x128xf32>, vector<1x128xf32>, vector<1x128xf32>, vector<1x128xf32>, vector<1x128xf32>, vector<1x128xf32>, vector<1x128xf32>, vector<1x128xf32>, vector<1x128xf32>, vector<1x128xf32>, vector<1x128xf32>, vector<1x128xf32>, vector<1x128xf32>, vector<1x128xf32>, vector<1x128xf32>, vector<1x128xf32>, vector<1x128xf32>, vector<1x128xf32>, vector<1x128xf32>, vector<1x128xf32>, vector<1x128xf32>, vector<1x128xf32>, vector<1x128xf32>, vector<1x128xf32>, vector<1x128xf32>, vector<1x128xf32>, vector<1x128xf32>, vector<1x128xf32>, vector<1x128xf32>, vector<1x128xf32>, vector<1x128xf32>, vector<1x128xf32>, vector<1x128xf32>, vector<1x128xf32>, vector<1x128xf32>, vector<1x128xf32>, vector<1x128xf32>, vector<1x128xf32>, vector<1x128xf32>, vector<1x128xf32>, vector<1x128xf32>, vector<1x128xf32> -> vector<64x128xf32>
    %swap3A_475 = arith.constant 0 : index
    %swap3A_476 = arith.constant 0 : index
    %swap3A_477 = vector.load %arg5[%swap3A_475, %swap3A_476] : memref<64x128xf32, #tpu.memory_space<vmem>>, vector<64x128xf32>
    tpu.vector_store %arg5[%swap3A_475, %swap3A_476], %concatenate3A_474 {strides = array<i32>} : memref<64x128xf32, #tpu.memory_space<vmem>>, vector<64x128xf32>,
    %concatenate3A_478 = tpu.concatenate %broadcast_in_dim3A_32, %broadcast_in_dim3A_39, %broadcast_in_dim3A_46, %broadcast_in_dim3A_53, %broadcast_in_dim3A_60, %broadcast_in_dim3A_67, %broadcast_in_dim3A_74, %broadcast_in_dim3A_81, %broadcast_in_dim3A_88, %broadcast_in_dim3A_95, %broadcast_in_dim3A_102, %broadcast_in_dim3A_109, %broadcast_in_dim3A_116, %broadcast_in_dim3A_123, %broadcast_in_dim3A_130, %broadcast_in_dim3A_137, %broadcast_in_dim3A_144, %broadcast_in_dim3A_151, %broadcast_in_dim3A_158, %broadcast_in_dim3A_165, %broadcast_in_dim3A_172, %broadcast_in_dim3A_179, %broadcast_in_dim3A_186, %broadcast_in_dim3A_193, %broadcast_in_dim3A_200, %broadcast_in_dim3A_207, %broadcast_in_dim3A_214, %broadcast_in_dim3A_221, %broadcast_in_dim3A_228, %broadcast_in_dim3A_235, %broadcast_in_dim3A_242, %broadcast_in_dim3A_249, %broadcast_in_dim3A_256, %broadcast_in_dim3A_263, %broadcast_in_dim3A_270, %broadcast_in_dim3A_277, %broadcast_in_dim3A_284, %broadcast_in_dim3A_291, %broadcast_in_dim3A_298, %broadcast_in_dim3A_305, %broadcast_in_dim3A_312, %broadcast_in_dim3A_319, %broadcast_in_dim3A_326, %broadcast_in_dim3A_333, %broadcast_in_dim3A_340, %broadcast_in_dim3A_347, %broadcast_in_dim3A_354, %broadcast_in_dim3A_361, %broadcast_in_dim3A_368, %broadcast_in_dim3A_375, %broadcast_in_dim3A_382, %broadcast_in_dim3A_389, %broadcast_in_dim3A_396, %broadcast_in_dim3A_403, %broadcast_in_dim3A_410, %broadcast_in_dim3A_417, %broadcast_in_dim3A_424, %broadcast_in_dim3A_431, %broadcast_in_dim3A_438, %broadcast_in_dim3A_445, %broadcast_in_dim3A_452, %broadcast_in_dim3A_459, %broadcast_in_dim3A_466, %broadcast_in_dim3A_473 in 0 : vector<1x128xf32>, vector<1x128xf32>, vector<1x128xf32>, vector<1x128xf32>, vector<1x128xf32>, vector<1x128xf32>, vector<1x128xf32>, vector<1x128xf32>, vector<1x128xf32>, vector<1x128xf32>, vector<1x128xf32>, vector<1x128xf32>, vector<1x128xf32>, vector<1x128xf32>, vector<1x128xf32>, vector<1x128xf32>, vector<1x128xf32>, vector<1x128xf32>, vector<1x128xf32>, vector<1x128xf32>, vector<1x128xf32>, vector<1x128xf32>, vector<1x128xf32>, vector<1x128xf32>, vector<1x128xf32>, vector<1x128xf32>, vector<1x128xf32>, vector<1x128xf32>, vector<1x128xf32>, vector<1x128xf32>, vector<1x128xf32>, vector<1x128xf32>, vector<1x128xf32>, vector<1x128xf32>, vector<1x128xf32>, vector<1x128xf32>, vector<1x128xf32>, vector<1x128xf32>, vector<1x128xf32>, vector<1x128xf32>, vector<1x128xf32>, vector<1x128xf32>, vector<1x128xf32>, vector<1x128xf32>, vector<1x128xf32>, vector<1x128xf32>, vector<1x128xf32>, vector<1x128xf32>, vector<1x128xf32>, vector<1x128xf32>, vector<1x128xf32>, vector<1x128xf32>, vector<1x128xf32>, vector<1x128xf32>, vector<1x128xf32>, vector<1x128xf32>, vector<1x128xf32>, vector<1x128xf32>, vector<1x128xf32>, vector<1x128xf32>, vector<1x128xf32>, vector<1x128xf32>, vector<1x128xf32>, vector<1x128xf32> -> vector<64x128xf32>
    %swap3A_479 = arith.constant 0 : index
    %swap3A_480 = arith.constant 0 : index
    %swap3A_481 = vector.load %arg6[%swap3A_479, %swap3A_480] : memref<64x128xf32, #tpu.memory_space<vmem>>, vector<64x128xf32>
    tpu.vector_store %arg6[%swap3A_479, %swap3A_480], %concatenate3A_478 {strides = array<i32>} : memref<64x128xf32, #tpu.memory_space<vmem>>, vector<64x128xf32>,
    return
  }
  func.func @transform_0(%arg0: i32) -> (i32, i32) {
    %c0_i32 = arith.constant 0 : i32
    %c0_i32_0 = arith.constant 0 : i32
    return %arg0, %c0_i32 : i32, i32
  }
  func.func @transform_1(%arg0: i32) -> (i32, i32) {
    %c0_i32 = arith.constant 0 : i32
    %c0_i32_0 = arith.constant 0 : i32
    %c0_i32_1 = arith.constant 0 : i32
    return %c0_i32, %c0_i32_0 : i32, i32
  }
  func.func @transform_2(%arg0: i32) -> (i32, i32) {
    %c0_i32 = arith.constant 0 : i32
    %c0_i32_0 = arith.constant 0 : i32
    %c0_i32_1 = arith.constant 0 : i32
    return %c0_i32, %c0_i32_0 : i32, i32
  }
  func.func @transform_3(%arg0: i32) -> (i32, i32) {
    %c0_i32 = arith.constant 0 : i32
    %c0_i32_0 = arith.constant 0 : i32
    %c0_i32_1 = arith.constant 0 : i32
    return %c0_i32, %c0_i32_0 : i32, i32
  }
  func.func @transform_4(%arg0: i32) -> (i32, i32) {
    %c0_i32 = arith.constant 0 : i32
    %c0_i32_0 = arith.constant 0 : i32
    return %arg0, %c0_i32 : i32, i32
  }
  func.func @transform_5(%arg0: i32) -> (i32, i32) {
    %c0_i32 = arith.constant 0 : i32
    %c0_i32_0 = arith.constant 0 : i32
    return %arg0, %c0_i32 : i32, i32
  }
  func.func @transform_6(%arg0: i32) -> (i32, i32) {
    %c0_i32 = arith.constant 0 : i32
    %c0_i32_0 = arith.constant 0 : i32
    %c0_i32_1 = arith.constant 0 : i32
    return %c0_i32, %c0_i32_0 : i32, i32
  }
}

module attributes {stable_mosaic.version = 14 : i64} {
  func.func @body(%arg0: i32, %arg1: memref<512x128xf32, #tpu.memory_space<vmem>>, %arg2: memref<512x128xf32, #tpu.memory_space<vmem>>, %arg3: memref<1x128xf32, #tpu.memory_space<vmem>>, %arg4: memref<1x128xf32, #tpu.memory_space<vmem>>, %arg5: memref<1x128x512xf32, #tpu.memory_space<vmem>>) attributes {dimension_semantics = [#tpu.dimension_semantics<arbitrary>], iteration_bounds = array<i64: 8>, scalar_prefetch = 0 : i64, scratch_operands = 0 : i64, tpu.core_type = #tpu.core_type<tc>, window_params = [{transform_indices = @transform_0, window_bounds = array<i64: 512, 128>}, {transform_indices = @transform_1, window_bounds = array<i64: 512, 128>}, {pipeline_mode = #tpu.pipeline_mode<synchronous>, transform_indices = @transform_2, window_bounds = array<i64: 1, 128>}, {pipeline_mode = #tpu.pipeline_mode<synchronous>, transform_indices = @transform_3, window_bounds = array<i64: 1, 128>}, {transform_indices = @transform_4, window_bounds = array<i64: 1, 128, 512>}]} {
    %get3A = arith.constant 0 : index
    %get3A_0 = arith.constant 0 : index
    %get3A_1 = vector.load %arg3[%get3A, %get3A_0] : memref<1x128xf32, #tpu.memory_space<vmem>>, vector<1x128xf32>
    %ge3A = arith.constant 0.000000e+00 : f32
    %ge3A_2 = vector.broadcast %ge3A : f32 to vector<1x128xf32>
    %ge3A_3 = arith.cmpf oge, %get3A_1, %ge3A_2 : vector<1x128xf32>
    %get3A_4 = arith.constant 0 : index
    %get3A_5 = arith.constant 0 : index
    %get3A_6 = vector.load %arg1[%get3A_4, %get3A_5] : memref<512x128xf32, #tpu.memory_space<vmem>>, vector<512x128xf32>
    %get3A_7 = arith.constant 0 : index
    %get3A_8 = arith.constant 0 : index
    %get3A_9 = vector.load %arg2[%get3A_7, %get3A_8] : memref<512x128xf32, #tpu.memory_space<vmem>>, vector<512x128xf32>
    %broadcast_in_dim3A = vector.shape_cast %ge3A_3 : vector<1x128xi1> to vector<1x128xi1>
    %broadcast_in_dim3A_10 = vector.broadcast %broadcast_in_dim3A : vector<1x128xi1> to vector<512x128xi1>
    %select_n3A = arith.select %broadcast_in_dim3A_10, %get3A_6, %get3A_9 : vector<512x128xi1>, vector<512x128xf32>
    %mul3A = vector.broadcast %get3A_1 : vector<1x128xf32> to vector<512x128xf32>
    %mul3A_11 = arith.mulf %select_n3A, %mul3A : vector<512x128xf32>
    %get3A_12 = arith.constant 0 : index
    %get3A_13 = arith.constant 0 : index
    %get3A_14 = vector.load %arg4[%get3A_12, %get3A_13] : memref<1x128xf32, #tpu.memory_space<vmem>>, vector<1x128xf32>
    %add3A = vector.broadcast %get3A_14 : vector<1x128xf32> to vector<512x128xf32>
    %add3A_15 = arith.addf %mul3A_11, %add3A : vector<512x128xf32>
    %max3A = arith.constant 0.000000e+00 : f32
    %max3A_16 = vector.broadcast %max3A : f32 to vector<512x128xf32>
    %max3A_17 = arith.maximumf %add3A_15, %max3A_16 : vector<512x128xf32>
    %transpose3A = tpu.transpose %max3A_17, [1, 0] : vector<512x128xf32> -> vector<128x512xf32>
    %broadcast_in_dim3A_18 = vector.shape_cast %transpose3A : vector<128x512xf32> to vector<1x128x512xf32>
    %swap3A = arith.constant 0 : index
    %swap3A_19 = arith.constant 0 : index
    %swap3A_20 = arith.constant 0 : index
    %swap3A_21 = vector.load %arg5[%swap3A, %swap3A_19, %swap3A_20] : memref<1x128x512xf32, #tpu.memory_space<vmem>>, vector<1x128x512xf32>
    tpu.vector_store %arg5[%swap3A, %swap3A_19, %swap3A_20], %broadcast_in_dim3A_18 {strides = array<i32>} : memref<1x128x512xf32, #tpu.memory_space<vmem>>, vector<1x128x512xf32>,
    return
  }
  func.func @transform_0(%arg0: i32) -> (i32, i32) {
    %c0_i32 = arith.constant 0 : i32
    %c0_i32_0 = arith.constant 0 : i32
    return %arg0, %c0_i32 : i32, i32
  }
  func.func @transform_1(%arg0: i32) -> (i32, i32) {
    %c0_i32 = arith.constant 0 : i32
    %c0_i32_0 = arith.constant 0 : i32
    return %arg0, %c0_i32 : i32, i32
  }
  func.func @transform_2(%arg0: i32) -> (i32, i32) {
    %c0_i32 = arith.constant 0 : i32
    %c0_i32_0 = arith.constant 0 : i32
    %c0_i32_1 = arith.constant 0 : i32
    return %c0_i32, %c0_i32_0 : i32, i32
  }
  func.func @transform_3(%arg0: i32) -> (i32, i32) {
    %c0_i32 = arith.constant 0 : i32
    %c0_i32_0 = arith.constant 0 : i32
    %c0_i32_1 = arith.constant 0 : i32
    return %c0_i32, %c0_i32_0 : i32, i32
  }
  func.func @transform_4(%arg0: i32) -> (i32, i32, i32) {
    %jit3A = arith.constant 2 : i32
    %div3A = arith.divsi %arg0, %jit3A : i32
    %sign3A = arith.constant 0 : i32
    %sign3A_0 = arith.cmpi sgt, %arg0, %sign3A : i32
    %sign3A_1 = arith.extui %sign3A_0 : i1 to i32
    %sign3A_2 = arith.constant 0 : i32
    %sign3A_3 = arith.cmpi slt, %arg0, %sign3A_2 : i32
    %sign3A_4 = arith.extui %sign3A_3 : i1 to i32
    %sign3A_5 = arith.subi %sign3A_1, %sign3A_4 : i32
    %sign3A_6 = arith.constant 0 : i32
    %sign3A_7 = arith.cmpi sgt, %jit3A, %sign3A_6 : i32
    %sign3A_8 = arith.extui %sign3A_7 : i1 to i32
    %sign3A_9 = arith.constant 0 : i32
    %sign3A_10 = arith.cmpi slt, %jit3A, %sign3A_9 : i32
    %sign3A_11 = arith.extui %sign3A_10 : i1 to i32
    %sign3A_12 = arith.subi %sign3A_8, %sign3A_11 : i32
    %ne3A = arith.cmpi ne, %sign3A_5, %sign3A_12 : i32
    %rem3A = arith.remsi %arg0, %jit3A : i32
    %ne3A_13 = arith.constant 0 : i32
    %ne3A_14 = arith.cmpi ne, %rem3A, %ne3A_13 : i32
    %and3A = arith.andi %ne3A, %ne3A_14 : i1
    %sub3A = arith.constant 1 : i32
    %sub3A_15 = arith.subi %div3A, %sub3A : i32
    %select_n3A = arith.select %and3A, %sub3A_15, %div3A : i32
    %jit3A_16 = arith.constant 2 : i32
    %eq3A = arith.constant 0 : i32
    %eq3A_17 = arith.cmpi eq, %jit3A_16, %eq3A : i32
    %jit3A_18 = arith.constant 1 : i32
    %select_n3A_19 = arith.select %eq3A_17, %jit3A_18, %jit3A_16 : i32
    %rem3A_20 = arith.remsi %arg0, %select_n3A_19 : i32
    %ne3A_21 = arith.constant 0 : i32
    %ne3A_22 = arith.cmpi ne, %rem3A_20, %ne3A_21 : i32
    %lt3A = arith.constant 0 : i32
    %lt3A_23 = arith.cmpi slt, %rem3A_20, %lt3A : i32
    %lt3A_24 = arith.constant 0 : i32
    %lt3A_25 = arith.cmpi slt, %select_n3A_19, %lt3A_24 : i32
    %ne3A_26 = arith.xori %lt3A_23, %lt3A_25 : i1
    %and3A_27 = arith.andi %ne3A_26, %ne3A_22 : i1
    %add3A = arith.addi %rem3A_20, %select_n3A_19 : i32
    %select_n3A_28 = arith.select %and3A_27, %add3A, %rem3A_20 : i32
    %c0_i32 = arith.constant 0 : i32
    %c0_i32_29 = arith.constant 0 : i32
    return %select_n3A, %c0_i32, %select_n3A_28 : i32, i32, i32
  }
}

</mosaic_0001>

<sc_bundles>
// kernel: kernel.9.cloned.1.call-start
scs
__scs_entry_jumppad:
0x0: {  	(pc) =	sbr.rel $0x88, $3  }
0x1: {  	(tag) =	ssettag $0x0;
	lr =	simm.s32 $0x1  }
0x2: {  	[smem:$0x3F96] =	sst lr;
	_ =	strace $0xD0000000  }
0x3: {  	_ = 	snop  }
0x4: {  	_ = 	snop  }
0x5: {  	_ = 	snop  }
0x6: {  	_ = 	snop  }
0x7: {  	_ = 	snop  }
__scs_overlays_trampoline_lowered:
0x8: {  	[smem:$0x3FA5] =	sst s0  }
0x9: {  	[smem:$0x3FA6] =	sst s1  }
0xa: {  	[smem:$0x3FA7] =	sst s2  }
0xb: {  	[smem:$0x3FA8] =	sst s3  }
0xc: {  	[smem:$0x3FA9] =	sst s4  }
0xd: {  	[smem:$0x3FAA] =	sst s5  }
0xe: {  	[smem:$0x3FAB] =	sst s6  }
0xf: {  	[smem:$0x3FAC] =	sst s7  }
0x10: {  	[smem:$0x3FAD] =	sst s8  }
0x11: {  	[smem:$0x3FAE] =	sst s9;
	s0 =	simm.s32 @!p0 $0x0  }
0x12: {  	s1 =	sld [smem:$0x3F94];
	s0 =	simm.s32 @p0 $0x1  }
0x13: {  	[smem:$0x3FAF] =	sst s0;
	s0 =	simm.s32 @!p1 $0x0  }
0x14: {  	s2 =	sld [smem:$0x3F93];
	s0 =	simm.s32 @p1 $0x1  }
0x15: {  	[smem:$0x3FB0] =	sst s0;
	s0 =	simm.s32 @!p2 $0x0  }
0x16: {  	s3 =	sld [smem:$0x3FDB];
	s0 =	simm.s32 @p2 $0x1  }
0x17: {  	s4 =	simm.s32 $0x1BF5;
	[smem:$0x3FB2] =	sst s0  }
0x18: {  	s0 =	sld [smem:$0x3F95];
	_ =	swait.ge [sflag:s4], $0x0  }
0x19: {  	s7 =	sld [smem:$0x3F96]  }
0x1a: {  	s8 =	sadd.s32 $0xFFFFE003, lr  }
0x1b: {  	s9 =	sadd.s32 $0xFFFFFEF7, lr;
	s5 =	simm.s32 $0xFFFFFFFF;
	p2 =	slt.u32 s8, $0xFFFFF086  }
0x1c: {  	p1 =	slt.u32 s9, $0xF7A;
	s5 =	simm.s32 @!p2 $0x0  }
0x1d: {  	s5 =	simm.s32 @p1 $0x1;
	p0 =	seq.s32 s7, s2  }
0x1e: {  	s7 =	smul.u32 @!p0 $0xF7A, s2;
	p2 =	seq.s32 @!p0 s5, $0x0  }
0x1f: {  	s9 =	smul.u32 $0xF7A, s1;
	s8 =	simm.s32 @!p0 $0x1BF5;
	p2 =	por !p2, p0  }
0x20: {  	[sflag:s8] =	ssyncset.s32 @!p0 $0xFFFFF086;
	s6 =	sadd.s32 @!p0 s3, s7;
	s7 =	simm.s32 @!p0 $0x108  }
0x21: {  	s3 =	sadd.s32 s3, s9;
	s6 =	sadd.s32 @!p0 $0x88, s6;
	s7 =	simm.s32 @p2 $0x1082  }
0x22: {  	[simem:s7], [sflag:s8] =	dma.local @!p0 [hbm:s6], $0xF7A  }
0x23: {  	s9 =	sor.u32 $0xD0000000, s2;
	s6 =	simm.s32 $0x108;
	_ =	swait.ge @!p0 [sflag:s8], $0x0  }
0x24: {  	s3 =	sadd.s32 $0x88, s3;
	s6 =	simm.s32 @!p1 $0x1082;
	[sflag:s4] =	ssyncset.s32 $0xFFFFF086  }
0x25: {  	[simem:s6], [sflag:s4] =	dma.local [hbm:s3], $0xF7A  }
0x26: {  	[smem:$0x3F96] =	sst s1;
	(tag) =	ssettag s2;
	_ =	strace s9  }
0x27: {  	s1 =	sld [smem:$0x3FA6]  }
0x28: {  	s2 =	sld [smem:$0x3FA7]  }
0x29: {  	s4 =	sld [smem:$0x3FA9]  }
0x2a: {  	p0 =	seq.s32 s5, $0x0;
	s5 =	sld [smem:$0x3FAA]  }
0x2b: {  	s6 =	sld [smem:$0x3FAB]  }
0x2c: {  	s7 =	sld [smem:$0x3FAC]  }
0x2d: {  	s3 =	simm.s32 $0x108;
	s8 =	sld [smem:$0x3FAD]  }
0x2e: {  	s3 =	simm.s32 @!p0 $0x1082;
	s9 =	sld [smem:$0x3FAE]  }
0x2f: {  	lr =	sadd.s32 s0, s3;
	s0 =	sld [smem:$0x3FA5]  }
0x30: {  	s3 =	sld [smem:$0x3FA8]  }
0x31: {  	[smem:$0x3FB1] =	sst s10  }
0x32: {  	s10 =	sld [smem:$0x3FAF];
	_ =	sdelay $0x3  }
0x33: {  	p0 =	seq.s32 s10, $0x1;
	s10 =	sld [smem:$0x3FB1];
	_ =	sdelay $0x3  }
0x34: {  	[smem:$0x3FB1] =	sst s10  }
0x35: {  	s10 =	sld [smem:$0x3FB0];
	_ =	sdelay $0x3  }
0x36: {  	p1 =	seq.s32 s10, $0x1;
	s10 =	sld [smem:$0x3FB1];
	_ =	sdelay $0x3  }
0x37: {  	[smem:$0x3FB1] =	sst s10  }
0x38: {  	s10 =	sld [smem:$0x3FB2]  }
0x39: {  	_ = 	snop;
	(pc) =	sbr.ind lr, $3  }
0x3a: {  	_ = 	snop  }
0x3b: {  	_ = 	snop  }
0x3c: {  	p2 =	seq.s32 s10, $0x1;
	s10 =	sld [smem:$0x3FB1]  }
0x3d: {  	_ =	shalt  }
0x3e: {  	_ =	shalt  }
0x3f: {  	_ =	shalt  }
0x40: {  	_ =	shalt  }
0x41: {  	_ =	shalt  }
0x42: {  	_ =	shalt  }
0x43: {  	_ =	shalt  }
0x44: {  	_ =	shalt  }
0x45: {  	_ =	shalt  }
0x46: {  	_ =	shalt  }
0x47: {  	_ =	shalt  }
0x48: {  	_ =	shalt  }
0x49: {  	_ =	shalt  }
0x4a: {  	_ =	shalt  }
0x4b: {  	_ =	shalt  }
0x4c: {  	_ =	shalt  }
0x4d: {  	_ =	shalt  }
0x4e: {  	_ =	shalt  }
0x4f: {  	_ =	shalt  }
0x50: {  	_ =	shalt  }
0x51: {  	_ =	shalt  }
0x52: {  	_ =	shalt  }
0x53: {  	_ =	shalt  }
0x54: {  	_ =	shalt  }
0x55: {  	_ =	shalt  }
0x56: {  	_ =	shalt  }
0x57: {  	_ =	shalt  }
0x58: {  	_ =	shalt  }
0x59: {  	_ =	shalt  }
0x5a: {  	_ =	shalt  }
0x5b: {  	_ =	shalt  }
0x5c: {  	_ =	shalt  }
0x5d: {  	_ =	shalt  }
0x5e: {  	_ =	shalt  }
0x5f: {  	_ =	shalt  }
0x60: {  	_ =	shalt  }
0x61: {  	_ =	shalt  }
0x62: {  	_ =	shalt  }
0x63: {  	_ =	shalt  }
0x64: {  	_ =	shalt  }
0x65: {  	_ =	shalt  }
0x66: {  	_ =	shalt  }
0x67: {  	_ =	shalt  }
0x68: {  	_ =	shalt  }
0x69: {  	_ =	shalt  }
0x6a: {  	_ =	shalt  }
0x6b: {  	_ =	shalt  }
0x6c: {  	_ =	shalt  }
0x6d: {  	_ =	shalt  }
0x6e: {  	_ =	shalt  }
0x6f: {  	_ =	shalt  }
0x70: {  	_ =	shalt  }
0x71: {  	_ =	shalt  }
0x72: {  	_ =	shalt  }
0x73: {  	_ =	shalt  }
0x74: {  	_ =	shalt  }
0x75: {  	_ =	shalt  }
0x76: {  	_ =	shalt  }
0x77: {  	_ =	shalt  }
0x78: {  	_ =	shalt  }
0x79: {  	_ =	shalt  }
0x7a: {  	_ =	shalt  }
0x7b: {  	_ =	shalt  }
0x7c: {  	_ =	shalt  }
0x7d: {  	_ =	shalt  }
0x7e: {  	_ =	shalt  }
0x7f: {  	_ =	shalt  }
0x80: {  	_ =	shalt  }
0x81: {  	_ =	shalt  }
0x82: {  	_ =	shalt  }
0x83: {  	_ =	shalt  }
0x84: {  	_ =	shalt  }
0x85: {  	_ =	shalt  }
0x86: {  	_ =	shalt  }
0x87: {  	_ =	shalt  }
.Lfunc_end0:
.L_simem_size_0:
called_computation_lowered:
.L_overlay_start_0:
0x88: {  	s2 =	sld [smem:$0x3FD9]  }
0x89: {  	s3 =	sld [smem:$0x3FFE];
	_ =	sdelay $0x1  }
0x8a: {  	s1 =	srdreg.scid  }
0x8b: {  	s0 =	sand.u32 $0x1, s1  }
0x8c: {  	s14 =	sshll.u32 s0, $0xA;
	s2 =	sadd.s32 s3, s2  }
0x8d: {  	s2 =	sadd.s32 s2, s14  }
0x8e: {  	[smem:$0x3FBD] =	sst s2  }
0x8f: {  	_ = 	snop  }
0x90: {  	s2 =	sld [smem:$0x3FD0];
	_ =	sdelay $0x2  }
0x91: {  	s15 =	simm.s32 $0xA;
	s4 =	simm.s32 $0x10  }
0x92: {  	[smem:s4], [sflag:s15] =	dma.local [hbm:s2], $0x1  }
0x93: {  	_ =	swait.eq [sflag:s15], $0x1  }
0x94: {  	[sflag:s15] =	ssyncset.done $0x0  }
0x95: {  	[sflag:s15] =	ssyncadd.s32 $0xFFFFFFFF  }
0x96: {  	s16 =	sld [smem:$0x11];
	(tm) =	ssettm $0x1  }
0x97: {  	s17 =	sld [smem:$0x3FFB];
	_ =	sdelay $0x3  }
0x98: {  	_ =	strace s17  }
0x99: {  	s3 =	sld [smem:$0x3FFC];
	_ =	sdelay $0x3  }
0x9a: {  	_ =	strace s3  }
0x9b: {  	s3 =	sld [smem:$0x3FFD];
	_ =	sdelay $0x3  }
0x9c: {  	_ =	strace s3  }
0x9d: {  	_ =	strace $0x8FFFFFFF  }
0x9e: {  	s18 =	sld [smem:$0x3FDB];
	_ =	sdelay $0x1  }
0x9f: {  	s19 =	simm.s32 $_scs_section_size  }
0xa0: {  	s5 =	simm.s32 $_size__tile_overlayer_lowered;
	s6 =	simm.s32 $_tile_overlayer_lowered  }
0xa1: {  	s22 =	simm.s32 $0x1BFF;
	s21 =	sshll.u32 s6, $0x1;
	s3 =	sadd.s32 s19, s18  }
0xa2: {  	s7 =	simm.s32 $0x0;
	s20 =	sshll.u32 s5, $0x1;
	s5 =	sadd.s32 s21, s3  }
0xa3: {  	[timem:s7], [sflag:s22] =	dma.local [hbm:s5], s20  }
0xa4: {  	_ =	swait.ge [sflag:s22], s20  }
0xa5: {  	s4 =	ssub.s32 $0x0, s20;
	[sflag:s22] =	ssyncset.done $0x0  }
0xa6: {  	[sflag:s22] =	ssyncadd.s32 s4;
	_ =	sdelay $0x1  }
0xa7: {  	s23 =	simm.s32 $0x1B8B  }
0xa8: {  	_ =	swait.ge [sflag:s23], $0x1  }
0xa9: {  	[sflag:s23] =	ssyncset.done $0x0  }
0xaa: {  	s25 =	simm.s32 $0x1B8E;
	s24 =	sld [smem:$0x3FFE];
	[sflag:s23] =	ssyncadd.s32 $0xFFFFFFFF  }
0xab: {  	s26 =	simm.s32 $execute0_lowered;
	[smem:$0x3FD2] =	sst s25  }
0xac: {  	s5 =	sshll.u32 s26, $0x1;
	_ =	strace $0x80000046;
	[dreg:$0x1] =	wrdreg $0xFFFFFFFF  }
0xad: {  	s28 =	simm.s32 $_size_execute0_lowered;
	s3 =	sadd.s32 s3, s5;
	[dreg:$0x0] =	wrdreg $0x0  }
0xae: {  	s5 =	sshll.u32 s28, $0x1;
	[dreg:$0x2] =	wrdreg s3  }
0xaf: {  	[dreg:$0x3] =	wrdreg s5  }
0xb0: {  	[dreg:$0x4] =	wrdreg $0xC0  }
0xb1: {  	_ =	task [dreg:s7], $0x5FFFF  }
0xb2: {  	[dreg:$0x1] =	wrdreg $0xFFFFFFFF  }
0xb3: {  	[dreg:$0x0] =	wrdreg $0x60  }
0xb4: {  	[dreg:$0x2] =	wrdreg s24  }
0xb5: {  	[dreg:$0x3] =	wrdreg s16  }
0xb6: {  	[dreg:$0x4] =	wrdreg $0x9  }
0xb7: {  	_ =	task.clear_ibuf [dreg:s7], $0x5FFFF;
	_ =	strace $0x90000046  }
0xb8: {  	s29 =	simm.s32 $0x9;
	_ =	strace $0x80000048  }
0xb9: {  	_ =	swait.ge [sflag:s29], $0x1  }
0xba: {  	[sflag:s29] =	ssyncadd.s32 $0xFFFFFFFF  }
0xbb: {  	_ =	strace $0x90000048  }
0xbc: {  	_ =	sfence  }
0xbd: {  	s30 =	sld [smem:$0x0];
	_ =	sdelay $0x2  }
0xbe: {  	s31 =	sshll.u32 s1, $0xD;
	s1 =	sshrl.u32 s1, $0x2  }
0xbf: {  	s3 =	sand.u32 $0x4000, s31;
	s1 =	sadd.s32 s1, s30  }
0xc0: {  	s0 =	sor.u32 s3, s0;
	s1 =	sshll.u32 s1, $0x11  }
0xc1: {  	s0 =	sor.u32 s1, s0  }
0xc2: {  	s0 =	sadd.s32 $0x8F2B, s0  }
0xc3: {  	[sflag:s0] =	ssyncadd.remote.s32 $0x1  }
0xc4: {  	_ =	sfence.sel $0xFFFF  }
0xc5: {  	[dreg:$0x0] =	wrdreg $0xFFFFFFFF;
	(pc) =	sbr.abs _section_cstart, $3  }
0xc6: {  	[dreg:$0x1] =	wrdreg $0xFFFFFFFF  }
0xc7: {  	_ =	task.clear_ibuf [dreg:s7], $0x2FFFF;
	_ =	strace $0x9FFFFFFF  }
0xc8: {  	(tm) =	ssettm $0x7FFFFFFF  }
0xc9: {  	_ =	shalt  }
tec
execute0_lowered:
.L_overlay_start_1:
0x0: {  	(tag) =	ssettag $0x1  }
0x1: {  	s4 =	rddreg [dreg:$0x0]  }
0x2: {  	s6 =	rddreg [dreg:$0x1]  }
0x3: {  	s0 =	rddreg [dreg:$0x2];
	s2 =	simm.s32 $0x0;
	s1 =	stileid.u32  }
0x4: {  	s3 =	srdreg.scid;
	[smem:$0x7FF] =	sst s2  }
0x5: {  	s5 =	sshll.u32 s1, $0x11;
	s7 =	sand.u32 $0x1, s3;
	s3 =	sadd.s32 $0x2200, s4  }
0x6: {  	s9 =	sshll.u32 s1, $0xD;
	_ =	strace $0x80000047;
	s5 =	sadd.s32 s5, s4  }
0x7: {  	s29 =	ssub.s32 $0x2, s7;
	s10 =	sshll.u32 s7, $0xC;
	s7 =	sshll.u32 s7, $0x10  }
0x8: {  	s8 =	sshrl.u32 s29, $0x1;
	s30 =	sor.u32 s10, s9;
	s5 =	sadd.s32 s7, s5  }
0x9: {  	s7 =	simm.s32 $0x2;
	s9 =	simm.s32 $0x1;
	s10 =	simm.s32 $0x0  }
0xa: {  	s4 =	ssub.s32 s29, s8;
	s31 =	sshrl.u32 s30, $0x3;
	s5 =	sadd.s32 $0x82200, s5  }
0xb: {  	s8 =	simm.s32 $0x200;
	s4 =	smax.u32 s4, $0x1;
	s6 =	sadd.s32 s31, s6  }
.LBB2_1:
0xc: {  	s11 =	sadd.s32 $0x0, s6  }
0xd: {  	[tilespmem:s2], [sflag:$0x2] =	stream.linear.gather [hbm4b:s11+s2], $0x200, $0x38;
	[tilespmem:$0x10200] =	vst v63  }
0xe: {  	_ =	swait.ge [sflag:s7], $0x200  }
0xf: {  	[sflag:s7] =	ssyncset.done $0x0  }
0x10: {  	[sflag:s7] =	ssyncadd.s32 $0xFFFFFE00  }
0x11: {  	[tilespmem:s8], [sflag:$0x1] =	stream.indirect.gather [hbm4b:s3+s8], $0x80, s2, s8, $0xb8;
	[tilespmem:$0x10200] =	vst v63  }
0x12: {  	_ =	swait.ge [sflag:s9], $0x10000  }
0x13: {  	[sflag:s9] =	ssyncset.done $0x0  }
0x14: {  	[sflag:s9] =	ssyncadd.s32 $0xFFFF0000  }
0x15: {  	[hbm4b:s5+s2] =	stream.linear.scatter [tilespmem:s8], [sflag:$0x2], $0x10000, $0x38;
	[tilespmem:$0x10200] =	vst v63  }
0x16: {  	s12 =	simm.s32 $0x40;
	_ =	swait.ge [sflag:s7], $0x10000  }
0x17: {  	s13 =	simm.s32 $0x80;
	s11 =	sadd.s32 $0x2000, s5;
	[sflag:s7] =	ssyncset.done $0x0  }
.LBB2_2:
0x18: {  	s14 =	sadd.s32 s12, s6  }
0x19: {  	[sflag:s7] =	ssyncadd.s32 $0xFFFF0000;
	s12 =	smov.u32 s13;
	s15 =	sadd.s32 $0x40, s13  }
0x1a: {  	[tilespmem:s2], [sflag:$0x2] =	stream.linear.gather [hbm4b:s14+s2], $0x200, $0x38;
	[tilespmem:$0x10200] =	vst v63  }
0x1b: {  	p0 =	sne.s32 s13, $0x1C0;
	_ =	swait.ge [sflag:s7], $0x200  }
0x1c: {  	[sflag:s7] =	ssyncset.done $0x0  }
0x1d: {  	[sflag:s7] =	ssyncadd.s32 $0xFFFFFE00  }
0x1e: {  	[tilespmem:s8], [sflag:$0x1] =	stream.indirect.gather [hbm4b:s3+s8], $0x80, s2, s8, $0xb8;
	[tilespmem:$0x10200] =	vst v63  }
0x1f: {  	_ =	swait.ge [sflag:s9], $0x10000  }
.Ltmp0:
0x20: {  	[sflag:s9] =	ssyncset.done $0x0;
	(pc) =	sbr.rel @p0 .LBB2_2-.Ltmp0, $4  }
0x21: {  	[sflag:s9] =	ssyncadd.s32 $0xFFFF0000  }
0x22: {  	[hbm4b:s11+s2] =	stream.linear.scatter [tilespmem:s8], [sflag:$0x2], $0x10000, $0x38;
	[tilespmem:$0x10200] =	vst v63  }
0x23: {  	_ =	swait.ge [sflag:s7], $0x10000  }
0x24: {  	s13 =	smov.u32 s15;
	s11 =	sadd.s32 $0x2000, s11;
	[sflag:s7] =	ssyncset.done $0x0  }
0x25: {  	s12 =	sadd.s32 s12, s6;
	[sflag:s7] =	ssyncadd.s32 $0xFFFF0000  }
0x26: {  	[tilespmem:s2], [sflag:$0x2] =	stream.linear.gather [hbm4b:s12+s2], $0x200, $0x38;
	[tilespmem:$0x10200] =	vst v63  }
0x27: {  	_ =	swait.ge [sflag:s7], $0x200  }
0x28: {  	[sflag:s7] =	ssyncset.done $0x0  }
0x29: {  	[sflag:s7] =	ssyncadd.s32 $0xFFFFFE00  }
0x2a: {  	[tilespmem:s8], [sflag:$0x1] =	stream.indirect.gather [hbm4b:s3+s8], $0x80, s2, s8, $0xb8;
	[tilespmem:$0x10200] =	vst v63  }
0x2b: {  	s10 =	sadd.s32 $0x1, s10;
	_ =	swait.ge [sflag:s9], $0x10000  }
0x2c: {  	p0 =	sne.s32 s10, s4;
	[sflag:s9] =	ssyncset.done $0x0  }
.Ltmp1:
0x2d: {  	[sflag:s9] =	ssyncadd.s32 $0xFFFF0000;
	(pc) =	sbr.rel @p0 .LBB2_1-.Ltmp1, $4  }
0x2e: {  	[hbm4b:s11+s2] =	stream.linear.scatter [tilespmem:s8], [sflag:$0x2], $0x10000, $0x38;
	[tilespmem:$0x10200] =	vst v63  }
0x2f: {  	_ =	swait.ge [sflag:s7], $0x10000  }
0x30: {  	[sflag:s7] =	ssyncset.done $0x0  }
0x31: {  	[sflag:s7] =	ssyncadd.s32 $0xFFFF0000  }
0x32: {  	_ =	sfence.sel $0x180000  }
0x33: {  	[bflag:$0x0] =	sbarrier.arrive $0xFFFF  }
0x34: {  	p0 =	sne.s32 s1, $0x0;
	_ =	strace $0x90000047  }
0x35: {  	s0 =	sadd.s32 @!p0 $0x100000, s0;
	[bflag:$0x2] =	sbarrier.arrive $0xFFFF  }
0x36: {  	[sflag:s0] =	ssyncadd.tile.s32 @!p0 $0x1;
	_ =	shalt  }
.Lfunc_end2:
_tile_overlayer_lowered:
.L_overlay_start_2:
0x37: {  	(tag) =	ssettag $0x2  }
0x38: {  	s0 =	rddreg [dreg:$0x0];
	s2 =	stileid.u32  }
0x39: {  	s1 =	rddreg [dreg:$0x1];
	p0 =	sne.s32 s2, $0x0  }
0x3a: {  	s3 =	rddreg [dreg:$0x2];
	[bflag:$0x3] =	sbarrier.arrive $0xFFFF;
	s2 =	simm.s32 @!p0 $0x1C02  }
0x3b: {  	[timem:s3], [sflag:s2] =	dma.local @!p0 [hbm:s0], s1  }
0x3c: {  	s0 =	simm.s32 @!p0 $0x2  }
0x3d: {  	_ =	swait.ge @!p0 [sflag:s0], s1  }
0x3e: {  	s1 =	ssub.s32 @!p0 $0x0, s1;
	[sflag:s0] =	ssyncset.done @!p0 $0x0  }
0x3f: {  	[sflag:s0] =	ssyncadd.s32 @!p0 s1  }
0x40: {  	[bflag:$0x3] =	sbarrier.arrive $0xFFFF  }
0x41: {  	_ =	shalt  }

</sc_bundles>
